<compile_context>
chip_gen: v7x
topology: tpu7x:2x2x1
jax: 0.10.2.dev20260603
libtpu: 0.0.44.dev20260713+nightly
codegen_flags: <defaults>
</compile_context>

<pallas_src>
import functools

import jax
from jax import lax
from jax.experimental import pallas as pl
from jax.experimental.pallas import tpu as pltpu
from jax.experimental.pallas import tpu_sc as plsc


_CHUNKS = (56, 56, 16)


def _make_sc_copy(b, s, d, dtype):
    info = plsc.get_sparse_core_info()
    nw = info.num_cores * info.num_subcores
    rows_per_w = s // nw
    chunks = _CHUNKS
    assert sum(chunks) == rows_per_w
    nbuf = 2
    bufrows = max(chunks)
    n_ch = len(chunks)
    offs = [sum(chunks[:i]) for i in range(n_ch)]
    mesh = plsc.VectorSubcoreMesh(core_axis_name="c", subcore_axis_name="s")

    @functools.partial(
        pl.kernel,
        mesh=mesh,
        out_type=jax.ShapeDtypeStruct((b * s, d), dtype),
    )
    def sc_copy(emb_hbm, out_hbm):
        pl.run_scoped(
            functools.partial(_body, emb_hbm, out_hbm),
            pltpu.VMEM((nbuf * bufrows, d), dtype),
            pltpu.SemaphoreType.DMA,
            pltpu.SemaphoreType.DMA,
        )

    def _body(emb_hbm, out_hbm, allbuf, rsem, wsem):
        bufs = [allbuf.at[pl.ds(i * bufrows, bufrows)] for i in range(nbuf)]
        rsems = [rsem] * nbuf
        wsems = [wsem] * nbuf
        wid = lax.axis_index("s") * info.num_cores + lax.axis_index("c")
        base = wid * rows_per_w
        reads = [None] * nbuf
        writes = [[] for _ in range(nbuf)]

        def start_read(c):
            reads[c % nbuf] = pltpu.async_copy(
                emb_hbm.at[pl.ds(base + offs[c], chunks[c])],
                bufs[c % nbuf].at[pl.ds(0, chunks[c])],
                rsems[c % nbuf])

        for c in range(min(nbuf, n_ch)):
            start_read(c)
        for c in range(n_ch):
            k = c % nbuf
            reads[k].wait()
            row0 = base + offs[c]
            for bb in range(b):
                writes[k].append(
                    pltpu.async_copy(bufs[k].at[pl.ds(0, chunks[c])],
                                     out_hbm.at[pl.ds(bb * s + row0,
                                                      chunks[c])],
                                     wsems[k]))
            r = c + 1
            if nbuf <= r < n_ch:
                kk = r % nbuf
                for wcp in writes[kk]:
                    wcp.wait()
                writes[kk] = []
                start_read(r)
        for side in writes:
            for wcp in side:
                wcp.wait()

    return sc_copy


def kernel(x, emb):
    b, s = x.shape
    max_seq_len, d = emb.shape
    assert s < max_seq_len
    out = _make_sc_copy(b, s, d, emb.dtype)(emb)
    return out.reshape(b, s, d)

# --- scband reference (transcript-rebuilt; emitter-appended) ---
"""Pipeline reference for scband-absolute-positional-embedding-22771916603602 (READ-ONLY COPY).

The authoritative reference and input builder live on the scoring server;
editing this copy changes nothing except your own understanding.
"""

import jax, jax.numpy as jnp
import numpy as np


def setup_inputs(seed: int = 0) -> dict:
    key = jax.random.key(seed)
    k1, k2 = jax.random.split(key)
    # forward input: only shape/batch of x matters (token ids, unused values)
    x = jax.random.randint(k1, (4, 4096), 0, 50257, dtype=jnp.int64)
    # learned parameter: nn.Embedding(max_seq_len=8192, dim=1024), init uniform(-1/4, 1/4)
    emb = jax.random.uniform(k2, (8192, 1024), minval=-0.25, maxval=0.25, dtype=jnp.float32)
    return {"x": x, "emb": emb}


def reference(x, emb):
    b, s = x.shape
    max_seq_len, d = emb.shape
    if s < max_seq_len:
        n = jnp.arange(s)
        pe = jnp.take(emb, n, axis=0)  # gather rows -> [s, d]
        # repeat 'n d -> b n d'
        return jnp.broadcast_to(pe[None, :, :], (b, s, d))
    else:
        # long-sequence branch of the original module (chunked with sqrt(2) scaling)
        multiplier = 1.0 / (2.0 ** 0.5)
        chunks = []
        i = 0
        for i in range(0, s, max_seq_len):
            tmp = jnp.arange(i, max_seq_len + i)
            pe = jnp.take(emb, tmp, axis=0)
            chunks.append(jnp.broadcast_to(pe[None, :, :], (b, max_seq_len, d)) * multiplier)
            multiplier *= 2.0 ** 0.5
        tmp = jnp.arange(i + max_seq_len, s - 1)
        pe = jnp.take(emb, tmp, axis=0)
        chunks.append(jnp.broadcast_to(pe[None, :, :], (b, tmp.shape[0], d)) * multiplier)
        out = jnp.concatenate(chunks, axis=1)
        assert out.shape[1] == s
        return out

if __name__ == "__main__":
    import jax
    _d = setup_inputs()
    print(jax.jit(kernel)(*tuple(_d.values())))

</pallas_src>

<mosaic_0001>
#map = affine_map<(d0, d1) -> (0, 0)>
module attributes {stable_mosaic.version = 14 : i64} {
  func.func @sc_copy(%arg0: i32, %arg1: i32, %arg2: memref<8192x1024xf32, #tpu.memory_space<hbm>>, %arg3: memref<16384x1024xf32, #tpu.memory_space<hbm>>) attributes {dimension_semantics = [#tpu.dimension_semantics<core_parallel>, #tpu.dimension_semantics<subcore_parallel>], iteration_bounds = array<i64: 2, 16>, scalar_prefetch = 0 : i64, scratch_operands = 0 : i64, tpu.core_type = #tpu.core_type<sc_vector_subcore>, window_params = [{transform_indices = #map}, {transform_indices = #map}]} {
    "tpu.region"() ({
      %run_scoped3A = memref.alloca() : memref<112x1024xf32, #tpu.memory_space<vmem>>
      %run_scoped3A_0 = tpu.sem_alloc : memref<!tpu.dma_semaphore, #tpu.memory_space<semaphore_mem>>
      %run_scoped3A_1 = tpu.sem_alloc : memref<!tpu.dma_semaphore, #tpu.memory_space<semaphore_mem>>
      %mul3A = arith.constant 2 : i32
      %mul3A_2 = arith.muli %arg1, %mul3A : i32
      %add3A = arith.addi %mul3A_2, %arg0 : i32
      %mul3A_3 = arith.constant 128 : i32
      %mul3A_4 = arith.muli %add3A, %mul3A_3 : i32
      %add3A_5 = arith.constant 0 : i32
      %add3A_6 = arith.addi %mul3A_4, %add3A_5 : i32
      %dma_start3A = arith.constant 0 : i32
      %dma_start3A_7 = arith.constant 0 : i32
      %dma_start3A_8 = tpu.memref_slice %run_scoped3A[%dma_start3A, %dma_start3A_7] : memref<112x1024xf32, #tpu.memory_space<vmem>> -> memref<56x1024xf32, #tpu.memory_space<vmem>>
      %dma_start3A_9 = arith.constant 0 : i32
      %dma_start3A_10 = arith.constant 0 : i32
      %dma_start3A_11 = tpu.memref_slice %dma_start3A_8[%dma_start3A_9, %dma_start3A_10] : memref<56x1024xf32, #tpu.memory_space<vmem>> -> memref<56x1024xf32, #tpu.memory_space<vmem>>
      %dma_start3A_12 = arith.constant 0 : i32
      %dma_start3A_13 = tpu.memref_slice %arg2[%add3A_6, %dma_start3A_12] : memref<8192x1024xf32, #tpu.memory_space<hbm>> -> memref<56x1024xf32, #tpu.memory_space<hbm>>
      %dma_start3A_14 = arith.constant 0 : i32
      %dma_start3A_15 = arith.constant 0 : i32
      %dma_start3A_16 = tpu.memref_slice %run_scoped3A[%dma_start3A_14, %dma_start3A_15] : memref<112x1024xf32, #tpu.memory_space<vmem>> -> memref<56x1024xf32, #tpu.memory_space<vmem>>
      %dma_start3A_17 = arith.constant 0 : i32
      %dma_start3A_18 = arith.constant 0 : i32
      %dma_start3A_19 = tpu.memref_slice %dma_start3A_16[%dma_start3A_17, %dma_start3A_18] : memref<56x1024xf32, #tpu.memory_space<vmem>> -> memref<56x1024xf32, #tpu.memory_space<vmem>>
      %dma_start3A_20 = arith.constant 0 : i32
      %dma_start3A_21 = tpu.memref_slice %arg2[%add3A_6, %dma_start3A_20] : memref<8192x1024xf32, #tpu.memory_space<hbm>> -> memref<56x1024xf32, #tpu.memory_space<hbm>>
      tpu.enqueue_dma source(%dma_start3A_21 : memref<56x1024xf32, #tpu.memory_space<hbm>>) target(%dma_start3A_19 : memref<56x1024xf32, #tpu.memory_space<vmem>>) target_semaphore(%run_scoped3A_0 : memref<!tpu.dma_semaphore, #tpu.memory_space<semaphore_mem>>)
      %add3A_22 = arith.constant 56 : i32
      %add3A_23 = arith.addi %mul3A_4, %add3A_22 : i32
      %dma_start3A_24 = arith.constant 56 : i32
      %dma_start3A_25 = arith.constant 0 : i32
      %dma_start3A_26 = tpu.memref_slice %run_scoped3A[%dma_start3A_24, %dma_start3A_25] : memref<112x1024xf32, #tpu.memory_space<vmem>> -> memref<56x1024xf32, #tpu.memory_space<vmem>>
      %dma_start3A_27 = arith.constant 0 : i32
      %dma_start3A_28 = arith.constant 0 : i32
      %dma_start3A_29 = tpu.memref_slice %dma_start3A_26[%dma_start3A_27, %dma_start3A_28] : memref<56x1024xf32, #tpu.memory_space<vmem>> -> memref<56x1024xf32, #tpu.memory_space<vmem>>
      %dma_start3A_30 = arith.constant 0 : i32
      %dma_start3A_31 = tpu.memref_slice %arg2[%add3A_23, %dma_start3A_30] : memref<8192x1024xf32, #tpu.memory_space<hbm>> -> memref<56x1024xf32, #tpu.memory_space<hbm>>
      %dma_start3A_32 = arith.constant 56 : i32
      %dma_start3A_33 = arith.constant 0 : i32
      %dma_start3A_34 = tpu.memref_slice %run_scoped3A[%dma_start3A_32, %dma_start3A_33] : memref<112x1024xf32, #tpu.memory_space<vmem>> -> memref<56x1024xf32, #tpu.memory_space<vmem>>
      %dma_start3A_35 = arith.constant 0 : i32
      %dma_start3A_36 = arith.constant 0 : i32
      %dma_start3A_37 = tpu.memref_slice %dma_start3A_34[%dma_start3A_35, %dma_start3A_36] : memref<56x1024xf32, #tpu.memory_space<vmem>> -> memref<56x1024xf32, #tpu.memory_space<vmem>>
      %dma_start3A_38 = arith.constant 0 : i32
      %dma_start3A_39 = tpu.memref_slice %arg2[%add3A_23, %dma_start3A_38] : memref<8192x1024xf32, #tpu.memory_space<hbm>> -> memref<56x1024xf32, #tpu.memory_space<hbm>>
      tpu.enqueue_dma source(%dma_start3A_39 : memref<56x1024xf32, #tpu.memory_space<hbm>>) target(%dma_start3A_37 : memref<56x1024xf32, #tpu.memory_space<vmem>>) target_semaphore(%run_scoped3A_0 : memref<!tpu.dma_semaphore, #tpu.memory_space<semaphore_mem>>)
      %dma_wait3A = arith.constant 0 : i32
      %dma_wait3A_40 = arith.constant 0 : i32
      %dma_wait3A_41 = tpu.memref_slice %run_scoped3A[%dma_wait3A, %dma_wait3A_40] : memref<112x1024xf32, #tpu.memory_space<vmem>> -> memref<56x1024xf32, #tpu.memory_space<vmem>>
      %dma_wait3A_42 = arith.constant 0 : i32
      %dma_wait3A_43 = arith.constant 0 : i32
      %dma_wait3A_44 = tpu.memref_slice %dma_wait3A_41[%dma_wait3A_42, %dma_wait3A_43] : memref<56x1024xf32, #tpu.memory_space<vmem>> -> memref<56x1024xf32, #tpu.memory_space<vmem>>
      %dma_wait3A_45 = arith.constant 0 : i32
      %dma_wait3A_46 = tpu.memref_slice %arg2[%add3A_6, %dma_wait3A_45] : memref<8192x1024xf32, #tpu.memory_space<hbm>> -> memref<56x1024xf32, #tpu.memory_space<hbm>>
      %dma_wait3A_47 = arith.constant 0 : i32
      %dma_wait3A_48 = arith.constant 0 : i32
      %dma_wait3A_49 = tpu.memref_slice %run_scoped3A[%dma_wait3A_47, %dma_wait3A_48] : memref<112x1024xf32, #tpu.memory_space<vmem>> -> memref<56x1024xf32, #tpu.memory_space<vmem>>
      %dma_wait3A_50 = arith.constant 0 : i32
      %dma_wait3A_51 = arith.constant 0 : i32
      %dma_wait3A_52 = tpu.memref_slice %dma_wait3A_49[%dma_wait3A_50, %dma_wait3A_51] : memref<56x1024xf32, #tpu.memory_space<vmem>> -> memref<56x1024xf32, #tpu.memory_space<vmem>>
      %dma_wait3A_53 = arith.constant 0 : i32
      %dma_wait3A_54 = tpu.memref_slice %arg2[%add3A_6, %dma_wait3A_53] : memref<8192x1024xf32, #tpu.memory_space<hbm>> -> memref<56x1024xf32, #tpu.memory_space<hbm>>
      tpu.wait_dma2 semaphore(%run_scoped3A_0 : memref<!tpu.dma_semaphore, #tpu.memory_space<semaphore_mem>>) src(%dma_wait3A_54 : memref<56x1024xf32, #tpu.memory_space<hbm>>) dst(%dma_wait3A_52 : memref<56x1024xf32, #tpu.memory_space<vmem>>)
      %add3A_55 = arith.constant 0 : i32
      %add3A_56 = arith.addi %mul3A_4, %add3A_55 : i32
      %add3A_57 = arith.constant 0 : i32
      %add3A_58 = arith.addi %add3A_57, %add3A_56 : i32
      %dma_start3A_59 = arith.constant 0 : i32
      %dma_start3A_60 = arith.constant 0 : i32
      %dma_start3A_61 = tpu.memref_slice %run_scoped3A[%dma_start3A_59, %dma_start3A_60] : memref<112x1024xf32, #tpu.memory_space<vmem>> -> memref<56x1024xf32, #tpu.memory_space<vmem>>
      %dma_start3A_62 = arith.constant 0 : i32
      %dma_start3A_63 = arith.constant 0 : i32
      %dma_start3A_64 = tpu.memref_slice %dma_start3A_61[%dma_start3A_62, %dma_start3A_63] : memref<56x1024xf32, #tpu.memory_space<vmem>> -> memref<56x1024xf32, #tpu.memory_space<vmem>>
      %dma_start3A_65 = arith.constant 0 : i32
      %dma_start3A_66 = tpu.memref_slice %arg3[%add3A_58, %dma_start3A_65] : memref<16384x1024xf32, #tpu.memory_space<hbm>> -> memref<56x1024xf32, #tpu.memory_space<hbm>>
      %dma_start3A_67 = arith.constant 0 : i32
      %dma_start3A_68 = tpu.memref_slice %arg3[%add3A_58, %dma_start3A_67] : memref<16384x1024xf32, #tpu.memory_space<hbm>> -> memref<56x1024xf32, #tpu.memory_space<hbm>>
      %dma_start3A_69 = arith.constant 0 : i32
      %dma_start3A_70 = arith.constant 0 : i32
      %dma_start3A_71 = tpu.memref_slice %run_scoped3A[%dma_start3A_69, %dma_start3A_70] : memref<112x1024xf32, #tpu.memory_space<vmem>> -> memref<56x1024xf32, #tpu.memory_space<vmem>>
      %dma_start3A_72 = arith.constant 0 : i32
      %dma_start3A_73 = arith.constant 0 : i32
      %dma_start3A_74 = tpu.memref_slice %dma_start3A_71[%dma_start3A_72, %dma_start3A_73] : memref<56x1024xf32, #tpu.memory_space<vmem>> -> memref<56x1024xf32, #tpu.memory_space<vmem>>
      tpu.enqueue_dma source(%dma_start3A_74 : memref<56x1024xf32, #tpu.memory_space<vmem>>) target(%dma_start3A_68 : memref<56x1024xf32, #tpu.memory_space<hbm>>) target_semaphore(%run_scoped3A_1 : memref<!tpu.dma_semaphore, #tpu.memory_space<semaphore_mem>>)
      %add3A_75 = arith.constant 4096 : i32
      %add3A_76 = arith.addi %add3A_75, %add3A_56 : i32
      %dma_start3A_77 = arith.constant 0 : i32
      %dma_start3A_78 = arith.constant 0 : i32
      %dma_start3A_79 = tpu.memref_slice %run_scoped3A[%dma_start3A_77, %dma_start3A_78] : memref<112x1024xf32, #tpu.memory_space<vmem>> -> memref<56x1024xf32, #tpu.memory_space<vmem>>
      %dma_start3A_80 = arith.constant 0 : i32
      %dma_start3A_81 = arith.constant 0 : i32
      %dma_start3A_82 = tpu.memref_slice %dma_start3A_79[%dma_start3A_80, %dma_start3A_81] : memref<56x1024xf32, #tpu.memory_space<vmem>> -> memref<56x1024xf32, #tpu.memory_space<vmem>>
      %dma_start3A_83 = arith.constant 0 : i32
      %dma_start3A_84 = tpu.memref_slice %arg3[%add3A_76, %dma_start3A_83] : memref<16384x1024xf32, #tpu.memory_space<hbm>> -> memref<56x1024xf32, #tpu.memory_space<hbm>>
      %dma_start3A_85 = arith.constant 0 : i32
      %dma_start3A_86 = tpu.memref_slice %arg3[%add3A_76, %dma_start3A_85] : memref<16384x1024xf32, #tpu.memory_space<hbm>> -> memref<56x1024xf32, #tpu.memory_space<hbm>>
      %dma_start3A_87 = arith.constant 0 : i32
      %dma_start3A_88 = arith.constant 0 : i32
      %dma_start3A_89 = tpu.memref_slice %run_scoped3A[%dma_start3A_87, %dma_start3A_88] : memref<112x1024xf32, #tpu.memory_space<vmem>> -> memref<56x1024xf32, #tpu.memory_space<vmem>>
      %dma_start3A_90 = arith.constant 0 : i32
      %dma_start3A_91 = arith.constant 0 : i32
      %dma_start3A_92 = tpu.memref_slice %dma_start3A_89[%dma_start3A_90, %dma_start3A_91] : memref<56x1024xf32, #tpu.memory_space<vmem>> -> memref<56x1024xf32, #tpu.memory_space<vmem>>
      tpu.enqueue_dma source(%dma_start3A_92 : memref<56x1024xf32, #tpu.memory_space<vmem>>) target(%dma_start3A_86 : memref<56x1024xf32, #tpu.memory_space<hbm>>) target_semaphore(%run_scoped3A_1 : memref<!tpu.dma_semaphore, #tpu.memory_space<semaphore_mem>>)
      %add3A_93 = arith.constant 8192 : i32
      %add3A_94 = arith.addi %add3A_93, %add3A_56 : i32
      %dma_start3A_95 = arith.constant 0 : i32
      %dma_start3A_96 = arith.constant 0 : i32
      %dma_start3A_97 = tpu.memref_slice %run_scoped3A[%dma_start3A_95, %dma_start3A_96] : memref<112x1024xf32, #tpu.memory_space<vmem>> -> memref<56x1024xf32, #tpu.memory_space<vmem>>
      %dma_start3A_98 = arith.constant 0 : i32
      %dma_start3A_99 = arith.constant 0 : i32
      %dma_start3A_100 = tpu.memref_slice %dma_start3A_97[%dma_start3A_98, %dma_start3A_99] : memref<56x1024xf32, #tpu.memory_space<vmem>> -> memref<56x1024xf32, #tpu.memory_space<vmem>>
      %dma_start3A_101 = arith.constant 0 : i32
      %dma_start3A_102 = tpu.memref_slice %arg3[%add3A_94, %dma_start3A_101] : memref<16384x1024xf32, #tpu.memory_space<hbm>> -> memref<56x1024xf32, #tpu.memory_space<hbm>>
      %dma_start3A_103 = arith.constant 0 : i32
      %dma_start3A_104 = tpu.memref_slice %arg3[%add3A_94, %dma_start3A_103] : memref<16384x1024xf32, #tpu.memory_space<hbm>> -> memref<56x1024xf32, #tpu.memory_space<hbm>>
      %dma_start3A_105 = arith.constant 0 : i32
      %dma_start3A_106 = arith.constant 0 : i32
      %dma_start3A_107 = tpu.memref_slice %run_scoped3A[%dma_start3A_105, %dma_start3A_106] : memref<112x1024xf32, #tpu.memory_space<vmem>> -> memref<56x1024xf32, #tpu.memory_space<vmem>>
      %dma_start3A_108 = arith.constant 0 : i32
      %dma_start3A_109 = arith.constant 0 : i32
      %dma_start3A_110 = tpu.memref_slice %dma_start3A_107[%dma_start3A_108, %dma_start3A_109] : memref<56x1024xf32, #tpu.memory_space<vmem>> -> memref<56x1024xf32, #tpu.memory_space<vmem>>
      tpu.enqueue_dma source(%dma_start3A_110 : memref<56x1024xf32, #tpu.memory_space<vmem>>) target(%dma_start3A_104 : memref<56x1024xf32, #tpu.memory_space<hbm>>) target_semaphore(%run_scoped3A_1 : memref<!tpu.dma_semaphore, #tpu.memory_space<semaphore_mem>>)
      %add3A_111 = arith.constant 12288 : i32
      %add3A_112 = arith.addi %add3A_111, %add3A_56 : i32
      %dma_start3A_113 = arith.constant 0 : i32
      %dma_start3A_114 = arith.constant 0 : i32
      %dma_start3A_115 = tpu.memref_slice %run_scoped3A[%dma_start3A_113, %dma_start3A_114] : memref<112x1024xf32, #tpu.memory_space<vmem>> -> memref<56x1024xf32, #tpu.memory_space<vmem>>
      %dma_start3A_116 = arith.constant 0 : i32
      %dma_start3A_117 = arith.constant 0 : i32
      %dma_start3A_118 = tpu.memref_slice %dma_start3A_115[%dma_start3A_116, %dma_start3A_117] : memref<56x1024xf32, #tpu.memory_space<vmem>> -> memref<56x1024xf32, #tpu.memory_space<vmem>>
      %dma_start3A_119 = arith.constant 0 : i32
      %dma_start3A_120 = tpu.memref_slice %arg3[%add3A_112, %dma_start3A_119] : memref<16384x1024xf32, #tpu.memory_space<hbm>> -> memref<56x1024xf32, #tpu.memory_space<hbm>>
      %dma_start3A_121 = arith.constant 0 : i32
      %dma_start3A_122 = tpu.memref_slice %arg3[%add3A_112, %dma_start3A_121] : memref<16384x1024xf32, #tpu.memory_space<hbm>> -> memref<56x1024xf32, #tpu.memory_space<hbm>>
      %dma_start3A_123 = arith.constant 0 : i32
      %dma_start3A_124 = arith.constant 0 : i32
      %dma_start3A_125 = tpu.memref_slice %run_scoped3A[%dma_start3A_123, %dma_start3A_124] : memref<112x1024xf32, #tpu.memory_space<vmem>> -> memref<56x1024xf32, #tpu.memory_space<vmem>>
      %dma_start3A_126 = arith.constant 0 : i32
      %dma_start3A_127 = arith.constant 0 : i32
      %dma_start3A_128 = tpu.memref_slice %dma_start3A_125[%dma_start3A_126, %dma_start3A_127] : memref<56x1024xf32, #tpu.memory_space<vmem>> -> memref<56x1024xf32, #tpu.memory_space<vmem>>
      tpu.enqueue_dma source(%dma_start3A_128 : memref<56x1024xf32, #tpu.memory_space<vmem>>) target(%dma_start3A_122 : memref<56x1024xf32, #tpu.memory_space<hbm>>) target_semaphore(%run_scoped3A_1 : memref<!tpu.dma_semaphore, #tpu.memory_space<semaphore_mem>>)
      %dma_wait3A_129 = arith.constant 56 : i32
      %dma_wait3A_130 = arith.constant 0 : i32
      %dma_wait3A_131 = tpu.memref_slice %run_scoped3A[%dma_wait3A_129, %dma_wait3A_130] : memref<112x1024xf32, #tpu.memory_space<vmem>> -> memref<56x1024xf32, #tpu.memory_space<vmem>>
      %dma_wait3A_132 = arith.constant 0 : i32
      %dma_wait3A_133 = arith.constant 0 : i32
      %dma_wait3A_134 = tpu.memref_slice %dma_wait3A_131[%dma_wait3A_132, %dma_wait3A_133] : memref<56x1024xf32, #tpu.memory_space<vmem>> -> memref<56x1024xf32, #tpu.memory_space<vmem>>
      %dma_wait3A_135 = arith.constant 0 : i32
      %dma_wait3A_136 = tpu.memref_slice %arg2[%add3A_23, %dma_wait3A_135] : memref<8192x1024xf32, #tpu.memory_space<hbm>> -> memref<56x1024xf32, #tpu.memory_space<hbm>>
      %dma_wait3A_137 = arith.constant 56 : i32
      %dma_wait3A_138 = arith.constant 0 : i32
      %dma_wait3A_139 = tpu.memref_slice %run_scoped3A[%dma_wait3A_137, %dma_wait3A_138] : memref<112x1024xf32, #tpu.memory_space<vmem>> -> memref<56x1024xf32, #tpu.memory_space<vmem>>
      %dma_wait3A_140 = arith.constant 0 : i32
      %dma_wait3A_141 = arith.constant 0 : i32
      %dma_wait3A_142 = tpu.memref_slice %dma_wait3A_139[%dma_wait3A_140, %dma_wait3A_141] : memref<56x1024xf32, #tpu.memory_space<vmem>> -> memref<56x1024xf32, #tpu.memory_space<vmem>>
      %dma_wait3A_143 = arith.constant 0 : i32
      %dma_wait3A_144 = tpu.memref_slice %arg2[%add3A_23, %dma_wait3A_143] : memref<8192x1024xf32, #tpu.memory_space<hbm>> -> memref<56x1024xf32, #tpu.memory_space<hbm>>
      tpu.wait_dma2 semaphore(%run_scoped3A_0 : memref<!tpu.dma_semaphore, #tpu.memory_space<semaphore_mem>>) src(%dma_wait3A_144 : memref<56x1024xf32, #tpu.memory_space<hbm>>) dst(%dma_wait3A_142 : memref<56x1024xf32, #tpu.memory_space<vmem>>)
      %add3A_145 = arith.constant 56 : i32
      %add3A_146 = arith.addi %mul3A_4, %add3A_145 : i32
      %add3A_147 = arith.constant 0 : i32
      %add3A_148 = arith.addi %add3A_147, %add3A_146 : i32
      %dma_start3A_149 = arith.constant 56 : i32
      %dma_start3A_150 = arith.constant 0 : i32
      %dma_start3A_151 = tpu.memref_slice %run_scoped3A[%dma_start3A_149, %dma_start3A_150] : memref<112x1024xf32, #tpu.memory_space<vmem>> -> memref<56x1024xf32, #tpu.memory_space<vmem>>
      %dma_start3A_152 = arith.constant 0 : i32
      %dma_start3A_153 = arith.constant 0 : i32
      %dma_start3A_154 = tpu.memref_slice %dma_start3A_151[%dma_start3A_152, %dma_start3A_153] : memref<56x1024xf32, #tpu.memory_space<vmem>> -> memref<56x1024xf32, #tpu.memory_space<vmem>>
      %dma_start3A_155 = arith.constant 0 : i32
      %dma_start3A_156 = tpu.memref_slice %arg3[%add3A_148, %dma_start3A_155] : memref<16384x1024xf32, #tpu.memory_space<hbm>> -> memref<56x1024xf32, #tpu.memory_space<hbm>>
      %dma_start3A_157 = arith.constant 0 : i32
      %dma_start3A_158 = tpu.memref_slice %arg3[%add3A_148, %dma_start3A_157] : memref<16384x1024xf32, #tpu.memory_space<hbm>> -> memref<56x1024xf32, #tpu.memory_space<hbm>>
      %dma_start3A_159 = arith.constant 56 : i32
      %dma_start3A_160 = arith.constant 0 : i32
      %dma_start3A_161 = tpu.memref_slice %run_scoped3A[%dma_start3A_159, %dma_start3A_160] : memref<112x1024xf32, #tpu.memory_space<vmem>> -> memref<56x1024xf32, #tpu.memory_space<vmem>>
      %dma_start3A_162 = arith.constant 0 : i32
      %dma_start3A_163 = arith.constant 0 : i32
      %dma_start3A_164 = tpu.memref_slice %dma_start3A_161[%dma_start3A_162, %dma_start3A_163] : memref<56x1024xf32, #tpu.memory_space<vmem>> -> memref<56x1024xf32, #tpu.memory_space<vmem>>
      tpu.enqueue_dma source(%dma_start3A_164 : memref<56x1024xf32, #tpu.memory_space<vmem>>) target(%dma_start3A_158 : memref<56x1024xf32, #tpu.memory_space<hbm>>) target_semaphore(%run_scoped3A_1 : memref<!tpu.dma_semaphore, #tpu.memory_space<semaphore_mem>>)
      %add3A_165 = arith.constant 4096 : i32
      %add3A_166 = arith.addi %add3A_165, %add3A_146 : i32
      %dma_start3A_167 = arith.constant 56 : i32
      %dma_start3A_168 = arith.constant 0 : i32
      %dma_start3A_169 = tpu.memref_slice %run_scoped3A[%dma_start3A_167, %dma_start3A_168] : memref<112x1024xf32, #tpu.memory_space<vmem>> -> memref<56x1024xf32, #tpu.memory_space<vmem>>
      %dma_start3A_170 = arith.constant 0 : i32
      %dma_start3A_171 = arith.constant 0 : i32
      %dma_start3A_172 = tpu.memref_slice %dma_start3A_169[%dma_start3A_170, %dma_start3A_171] : memref<56x1024xf32, #tpu.memory_space<vmem>> -> memref<56x1024xf32, #tpu.memory_space<vmem>>
      %dma_start3A_173 = arith.constant 0 : i32
      %dma_start3A_174 = tpu.memref_slice %arg3[%add3A_166, %dma_start3A_173] : memref<16384x1024xf32, #tpu.memory_space<hbm>> -> memref<56x1024xf32, #tpu.memory_space<hbm>>
      %dma_start3A_175 = arith.constant 0 : i32
      %dma_start3A_176 = tpu.memref_slice %arg3[%add3A_166, %dma_start3A_175] : memref<16384x1024xf32, #tpu.memory_space<hbm>> -> memref<56x1024xf32, #tpu.memory_space<hbm>>
      %dma_start3A_177 = arith.constant 56 : i32
      %dma_start3A_178 = arith.constant 0 : i32
      %dma_start3A_179 = tpu.memref_slice %run_scoped3A[%dma_start3A_177, %dma_start3A_178] : memref<112x1024xf32, #tpu.memory_space<vmem>> -> memref<56x1024xf32, #tpu.memory_space<vmem>>
      %dma_start3A_180 = arith.constant 0 : i32
      %dma_start3A_181 = arith.constant 0 : i32
      %dma_start3A_182 = tpu.memref_slice %dma_start3A_179[%dma_start3A_180, %dma_start3A_181] : memref<56x1024xf32, #tpu.memory_space<vmem>> -> memref<56x1024xf32, #tpu.memory_space<vmem>>
      tpu.enqueue_dma source(%dma_start3A_182 : memref<56x1024xf32, #tpu.memory_space<vmem>>) target(%dma_start3A_176 : memref<56x1024xf32, #tpu.memory_space<hbm>>) target_semaphore(%run_scoped3A_1 : memref<!tpu.dma_semaphore, #tpu.memory_space<semaphore_mem>>)
      %add3A_183 = arith.constant 8192 : i32
      %add3A_184 = arith.addi %add3A_183, %add3A_146 : i32
      %dma_start3A_185 = arith.constant 56 : i32
      %dma_start3A_186 = arith.constant 0 : i32
      %dma_start3A_187 = tpu.memref_slice %run_scoped3A[%dma_start3A_185, %dma_start3A_186] : memref<112x1024xf32, #tpu.memory_space<vmem>> -> memref<56x1024xf32, #tpu.memory_space<vmem>>
      %dma_start3A_188 = arith.constant 0 : i32
      %dma_start3A_189 = arith.constant 0 : i32
      %dma_start3A_190 = tpu.memref_slice %dma_start3A_187[%dma_start3A_188, %dma_start3A_189] : memref<56x1024xf32, #tpu.memory_space<vmem>> -> memref<56x1024xf32, #tpu.memory_space<vmem>>
      %dma_start3A_191 = arith.constant 0 : i32
      %dma_start3A_192 = tpu.memref_slice %arg3[%add3A_184, %dma_start3A_191] : memref<16384x1024xf32, #tpu.memory_space<hbm>> -> memref<56x1024xf32, #tpu.memory_space<hbm>>
      %dma_start3A_193 = arith.constant 0 : i32
      %dma_start3A_194 = tpu.memref_slice %arg3[%add3A_184, %dma_start3A_193] : memref<16384x1024xf32, #tpu.memory_space<hbm>> -> memref<56x1024xf32, #tpu.memory_space<hbm>>
      %dma_start3A_195 = arith.constant 56 : i32
      %dma_start3A_196 = arith.constant 0 : i32
      %dma_start3A_197 = tpu.memref_slice %run_scoped3A[%dma_start3A_195, %dma_start3A_196] : memref<112x1024xf32, #tpu.memory_space<vmem>> -> memref<56x1024xf32, #tpu.memory_space<vmem>>
      %dma_start3A_198 = arith.constant 0 : i32
      %dma_start3A_199 = arith.constant 0 : i32
      %dma_start3A_200 = tpu.memref_slice %dma_start3A_197[%dma_start3A_198, %dma_start3A_199] : memref<56x1024xf32, #tpu.memory_space<vmem>> -> memref<56x1024xf32, #tpu.memory_space<vmem>>
      tpu.enqueue_dma source(%dma_start3A_200 : memref<56x1024xf32, #tpu.memory_space<vmem>>) target(%dma_start3A_194 : memref<56x1024xf32, #tpu.memory_space<hbm>>) target_semaphore(%run_scoped3A_1 : memref<!tpu.dma_semaphore, #tpu.memory_space<semaphore_mem>>)
      %add3A_201 = arith.constant 12288 : i32
      %add3A_202 = arith.addi %add3A_201, %add3A_146 : i32
      %dma_start3A_203 = arith.constant 56 : i32
      %dma_start3A_204 = arith.constant 0 : i32
      %dma_start3A_205 = tpu.memref_slice %run_scoped3A[%dma_start3A_203, %dma_start3A_204] : memref<112x1024xf32, #tpu.memory_space<vmem>> -> memref<56x1024xf32, #tpu.memory_space<vmem>>
      %dma_start3A_206 = arith.constant 0 : i32
      %dma_start3A_207 = arith.constant 0 : i32
      %dma_start3A_208 = tpu.memref_slice %dma_start3A_205[%dma_start3A_206, %dma_start3A_207] : memref<56x1024xf32, #tpu.memory_space<vmem>> -> memref<56x1024xf32, #tpu.memory_space<vmem>>
      %dma_start3A_209 = arith.constant 0 : i32
      %dma_start3A_210 = tpu.memref_slice %arg3[%add3A_202, %dma_start3A_209] : memref<16384x1024xf32, #tpu.memory_space<hbm>> -> memref<56x1024xf32, #tpu.memory_space<hbm>>
      %dma_start3A_211 = arith.constant 0 : i32
      %dma_start3A_212 = tpu.memref_slice %arg3[%add3A_202, %dma_start3A_211] : memref<16384x1024xf32, #tpu.memory_space<hbm>> -> memref<56x1024xf32, #tpu.memory_space<hbm>>
      %dma_start3A_213 = arith.constant 56 : i32
      %dma_start3A_214 = arith.constant 0 : i32
      %dma_start3A_215 = tpu.memref_slice %run_scoped3A[%dma_start3A_213, %dma_start3A_214] : memref<112x1024xf32, #tpu.memory_space<vmem>> -> memref<56x1024xf32, #tpu.memory_space<vmem>>
      %dma_start3A_216 = arith.constant 0 : i32
      %dma_start3A_217 = arith.constant 0 : i32
      %dma_start3A_218 = tpu.memref_slice %dma_start3A_215[%dma_start3A_216, %dma_start3A_217] : memref<56x1024xf32, #tpu.memory_space<vmem>> -> memref<56x1024xf32, #tpu.memory_space<vmem>>
      tpu.enqueue_dma source(%dma_start3A_218 : memref<56x1024xf32, #tpu.memory_space<vmem>>) target(%dma_start3A_212 : memref<56x1024xf32, #tpu.memory_space<hbm>>) target_semaphore(%run_scoped3A_1 : memref<!tpu.dma_semaphore, #tpu.memory_space<semaphore_mem>>)
      %dma_wait3A_219 = arith.constant 0 : i32
      %dma_wait3A_220 = arith.constant 0 : i32
      %dma_wait3A_221 = tpu.memref_slice %run_scoped3A[%dma_wait3A_219, %dma_wait3A_220] : memref<112x1024xf32, #tpu.memory_space<vmem>> -> memref<56x1024xf32, #tpu.memory_space<vmem>>
      %dma_wait3A_222 = arith.constant 0 : i32
      %dma_wait3A_223 = arith.constant 0 : i32
      %dma_wait3A_224 = tpu.memref_slice %dma_wait3A_221[%dma_wait3A_222, %dma_wait3A_223] : memref<56x1024xf32, #tpu.memory_space<vmem>> -> memref<56x1024xf32, #tpu.memory_space<vmem>>
      %dma_wait3A_225 = arith.constant 0 : i32
      %dma_wait3A_226 = tpu.memref_slice %arg3[%add3A_58, %dma_wait3A_225] : memref<16384x1024xf32, #tpu.memory_space<hbm>> -> memref<56x1024xf32, #tpu.memory_space<hbm>>
      %dma_wait3A_227 = arith.constant 0 : i32
      %dma_wait3A_228 = tpu.memref_slice %arg3[%add3A_58, %dma_wait3A_227] : memref<16384x1024xf32, #tpu.memory_space<hbm>> -> memref<56x1024xf32, #tpu.memory_space<hbm>>
      %dma_wait3A_229 = arith.constant 0 : i32
      %dma_wait3A_230 = arith.constant 0 : i32
      %dma_wait3A_231 = tpu.memref_slice %run_scoped3A[%dma_wait3A_229, %dma_wait3A_230] : memref<112x1024xf32, #tpu.memory_space<vmem>> -> memref<56x1024xf32, #tpu.memory_space<vmem>>
      %dma_wait3A_232 = arith.constant 0 : i32
      %dma_wait3A_233 = arith.constant 0 : i32
      %dma_wait3A_234 = tpu.memref_slice %dma_wait3A_231[%dma_wait3A_232, %dma_wait3A_233] : memref<56x1024xf32, #tpu.memory_space<vmem>> -> memref<56x1024xf32, #tpu.memory_space<vmem>>
      tpu.wait_dma2 semaphore(%run_scoped3A_1 : memref<!tpu.dma_semaphore, #tpu.memory_space<semaphore_mem>>) src(%dma_wait3A_234 : memref<56x1024xf32, #tpu.memory_space<vmem>>) dst(%dma_wait3A_228 : memref<56x1024xf32, #tpu.memory_space<hbm>>)
      %dma_wait3A_235 = arith.constant 0 : i32
      %dma_wait3A_236 = arith.constant 0 : i32
      %dma_wait3A_237 = tpu.memref_slice %run_scoped3A[%dma_wait3A_235, %dma_wait3A_236] : memref<112x1024xf32, #tpu.memory_space<vmem>> -> memref<56x1024xf32, #tpu.memory_space<vmem>>
      %dma_wait3A_238 = arith.constant 0 : i32
      %dma_wait3A_239 = arith.constant 0 : i32
      %dma_wait3A_240 = tpu.memref_slice %dma_wait3A_237[%dma_wait3A_238, %dma_wait3A_239] : memref<56x1024xf32, #tpu.memory_space<vmem>> -> memref<56x1024xf32, #tpu.memory_space<vmem>>
      %dma_wait3A_241 = arith.constant 0 : i32
      %dma_wait3A_242 = tpu.memref_slice %arg3[%add3A_76, %dma_wait3A_241] : memref<16384x1024xf32, #tpu.memory_space<hbm>> -> memref<56x1024xf32, #tpu.memory_space<hbm>>
      %dma_wait3A_243 = arith.constant 0 : i32
      %dma_wait3A_244 = tpu.memref_slice %arg3[%add3A_76, %dma_wait3A_243] : memref<16384x1024xf32, #tpu.memory_space<hbm>> -> memref<56x1024xf32, #tpu.memory_space<hbm>>
      %dma_wait3A_245 = arith.constant 0 : i32
      %dma_wait3A_246 = arith.constant 0 : i32
      %dma_wait3A_247 = tpu.memref_slice %run_scoped3A[%dma_wait3A_245, %dma_wait3A_246] : memref<112x1024xf32, #tpu.memory_space<vmem>> -> memref<56x1024xf32, #tpu.memory_space<vmem>>
      %dma_wait3A_248 = arith.constant 0 : i32
      %dma_wait3A_249 = arith.constant 0 : i32
      %dma_wait3A_250 = tpu.memref_slice %dma_wait3A_247[%dma_wait3A_248, %dma_wait3A_249] : memref<56x1024xf32, #tpu.memory_space<vmem>> -> memref<56x1024xf32, #tpu.memory_space<vmem>>
      tpu.wait_dma2 semaphore(%run_scoped3A_1 : memref<!tpu.dma_semaphore, #tpu.memory_space<semaphore_mem>>) src(%dma_wait3A_250 : memref<56x1024xf32, #tpu.memory_space<vmem>>) dst(%dma_wait3A_244 : memref<56x1024xf32, #tpu.memory_space<hbm>>)
      %dma_wait3A_251 = arith.constant 0 : i32
      %dma_wait3A_252 = arith.constant 0 : i32
      %dma_wait3A_253 = tpu.memref_slice %run_scoped3A[%dma_wait3A_251, %dma_wait3A_252] : memref<112x1024xf32, #tpu.memory_space<vmem>> -> memref<56x1024xf32, #tpu.memory_space<vmem>>
      %dma_wait3A_254 = arith.constant 0 : i32
      %dma_wait3A_255 = arith.constant 0 : i32
      %dma_wait3A_256 = tpu.memref_slice %dma_wait3A_253[%dma_wait3A_254, %dma_wait3A_255] : memref<56x1024xf32, #tpu.memory_space<vmem>> -> memref<56x1024xf32, #tpu.memory_space<vmem>>
      %dma_wait3A_257 = arith.constant 0 : i32
      %dma_wait3A_258 = tpu.memref_slice %arg3[%add3A_94, %dma_wait3A_257] : memref<16384x1024xf32, #tpu.memory_space<hbm>> -> memref<56x1024xf32, #tpu.memory_space<hbm>>
      %dma_wait3A_259 = arith.constant 0 : i32
      %dma_wait3A_260 = tpu.memref_slice %arg3[%add3A_94, %dma_wait3A_259] : memref<16384x1024xf32, #tpu.memory_space<hbm>> -> memref<56x1024xf32, #tpu.memory_space<hbm>>
      %dma_wait3A_261 = arith.constant 0 : i32
      %dma_wait3A_262 = arith.constant 0 : i32
      %dma_wait3A_263 = tpu.memref_slice %run_scoped3A[%dma_wait3A_261, %dma_wait3A_262] : memref<112x1024xf32, #tpu.memory_space<vmem>> -> memref<56x1024xf32, #tpu.memory_space<vmem>>
      %dma_wait3A_264 = arith.constant 0 : i32
      %dma_wait3A_265 = arith.constant 0 : i32
      %dma_wait3A_266 = tpu.memref_slice %dma_wait3A_263[%dma_wait3A_264, %dma_wait3A_265] : memref<56x1024xf32, #tpu.memory_space<vmem>> -> memref<56x1024xf32, #tpu.memory_space<vmem>>
      tpu.wait_dma2 semaphore(%run_scoped3A_1 : memref<!tpu.dma_semaphore, #tpu.memory_space<semaphore_mem>>) src(%dma_wait3A_266 : memref<56x1024xf32, #tpu.memory_space<vmem>>) dst(%dma_wait3A_260 : memref<56x1024xf32, #tpu.memory_space<hbm>>)
      %dma_wait3A_267 = arith.constant 0 : i32
      %dma_wait3A_268 = arith.constant 0 : i32
      %dma_wait3A_269 = tpu.memref_slice %run_scoped3A[%dma_wait3A_267, %dma_wait3A_268] : memref<112x1024xf32, #tpu.memory_space<vmem>> -> memref<56x1024xf32, #tpu.memory_space<vmem>>
      %dma_wait3A_270 = arith.constant 0 : i32
      %dma_wait3A_271 = arith.constant 0 : i32
      %dma_wait3A_272 = tpu.memref_slice %dma_wait3A_269[%dma_wait3A_270, %dma_wait3A_271] : memref<56x1024xf32, #tpu.memory_space<vmem>> -> memref<56x1024xf32, #tpu.memory_space<vmem>>
      %dma_wait3A_273 = arith.constant 0 : i32
      %dma_wait3A_274 = tpu.memref_slice %arg3[%add3A_112, %dma_wait3A_273] : memref<16384x1024xf32, #tpu.memory_space<hbm>> -> memref<56x1024xf32, #tpu.memory_space<hbm>>
      %dma_wait3A_275 = arith.constant 0 : i32
      %dma_wait3A_276 = tpu.memref_slice %arg3[%add3A_112, %dma_wait3A_275] : memref<16384x1024xf32, #tpu.memory_space<hbm>> -> memref<56x1024xf32, #tpu.memory_space<hbm>>
      %dma_wait3A_277 = arith.constant 0 : i32
      %dma_wait3A_278 = arith.constant 0 : i32
      %dma_wait3A_279 = tpu.memref_slice %run_scoped3A[%dma_wait3A_277, %dma_wait3A_278] : memref<112x1024xf32, #tpu.memory_space<vmem>> -> memref<56x1024xf32, #tpu.memory_space<vmem>>
      %dma_wait3A_280 = arith.constant 0 : i32
      %dma_wait3A_281 = arith.constant 0 : i32
      %dma_wait3A_282 = tpu.memref_slice %dma_wait3A_279[%dma_wait3A_280, %dma_wait3A_281] : memref<56x1024xf32, #tpu.memory_space<vmem>> -> memref<56x1024xf32, #tpu.memory_space<vmem>>
      tpu.wait_dma2 semaphore(%run_scoped3A_1 : memref<!tpu.dma_semaphore, #tpu.memory_space<semaphore_mem>>) src(%dma_wait3A_282 : memref<56x1024xf32, #tpu.memory_space<vmem>>) dst(%dma_wait3A_276 : memref<56x1024xf32, #tpu.memory_space<hbm>>)
      %add3A_283 = arith.constant 112 : i32
      %add3A_284 = arith.addi %mul3A_4, %add3A_283 : i32
      %dma_start3A_285 = arith.constant 0 : i32
      %dma_start3A_286 = arith.constant 0 : i32
      %dma_start3A_287 = tpu.memref_slice %run_scoped3A[%dma_start3A_285, %dma_start3A_286] : memref<112x1024xf32, #tpu.memory_space<vmem>> -> memref<56x1024xf32, #tpu.memory_space<vmem>>
      %dma_start3A_288 = arith.constant 0 : i32
      %dma_start3A_289 = arith.constant 0 : i32
      %dma_start3A_290 = tpu.memref_slice %dma_start3A_287[%dma_start3A_288, %dma_start3A_289] : memref<56x1024xf32, #tpu.memory_space<vmem>> -> memref<16x1024xf32, #tpu.memory_space<vmem>>
      %dma_start3A_291 = arith.constant 0 : i32
      %dma_start3A_292 = tpu.memref_slice %arg2[%add3A_284, %dma_start3A_291] : memref<8192x1024xf32, #tpu.memory_space<hbm>> -> memref<16x1024xf32, #tpu.memory_space<hbm>>
      %dma_start3A_293 = arith.constant 0 : i32
      %dma_start3A_294 = arith.constant 0 : i32
      %dma_start3A_295 = tpu.memref_slice %run_scoped3A[%dma_start3A_293, %dma_start3A_294] : memref<112x1024xf32, #tpu.memory_space<vmem>> -> memref<56x1024xf32, #tpu.memory_space<vmem>>
      %dma_start3A_296 = arith.constant 0 : i32
      %dma_start3A_297 = arith.constant 0 : i32
      %dma_start3A_298 = tpu.memref_slice %dma_start3A_295[%dma_start3A_296, %dma_start3A_297] : memref<56x1024xf32, #tpu.memory_space<vmem>> -> memref<16x1024xf32, #tpu.memory_space<vmem>>
      %dma_start3A_299 = arith.constant 0 : i32
      %dma_start3A_300 = tpu.memref_slice %arg2[%add3A_284, %dma_start3A_299] : memref<8192x1024xf32, #tpu.memory_space<hbm>> -> memref<16x1024xf32, #tpu.memory_space<hbm>>
      tpu.enqueue_dma source(%dma_start3A_300 : memref<16x1024xf32, #tpu.memory_space<hbm>>) target(%dma_start3A_298 : memref<16x1024xf32, #tpu.memory_space<vmem>>) target_semaphore(%run_scoped3A_0 : memref<!tpu.dma_semaphore, #tpu.memory_space<semaphore_mem>>)
      %dma_wait3A_301 = arith.constant 0 : i32
      %dma_wait3A_302 = arith.constant 0 : i32
      %dma_wait3A_303 = tpu.memref_slice %run_scoped3A[%dma_wait3A_301, %dma_wait3A_302] : memref<112x1024xf32, #tpu.memory_space<vmem>> -> memref<56x1024xf32, #tpu.memory_space<vmem>>
      %dma_wait3A_304 = arith.constant 0 : i32
      %dma_wait3A_305 = arith.constant 0 : i32
      %dma_wait3A_306 = tpu.memref_slice %dma_wait3A_303[%dma_wait3A_304, %dma_wait3A_305] : memref<56x1024xf32, #tpu.memory_space<vmem>> -> memref<16x1024xf32, #tpu.memory_space<vmem>>
      %dma_wait3A_307 = arith.constant 0 : i32
      %dma_wait3A_308 = tpu.memref_slice %arg2[%add3A_284, %dma_wait3A_307] : memref<8192x1024xf32, #tpu.memory_space<hbm>> -> memref<16x1024xf32, #tpu.memory_space<hbm>>
      %dma_wait3A_309 = arith.constant 0 : i32
      %dma_wait3A_310 = arith.constant 0 : i32
      %dma_wait3A_311 = tpu.memref_slice %run_scoped3A[%dma_wait3A_309, %dma_wait3A_310] : memref<112x1024xf32, #tpu.memory_space<vmem>> -> memref<56x1024xf32, #tpu.memory_space<vmem>>
      %dma_wait3A_312 = arith.constant 0 : i32
      %dma_wait3A_313 = arith.constant 0 : i32
      %dma_wait3A_314 = tpu.memref_slice %dma_wait3A_311[%dma_wait3A_312, %dma_wait3A_313] : memref<56x1024xf32, #tpu.memory_space<vmem>> -> memref<16x1024xf32, #tpu.memory_space<vmem>>
      %dma_wait3A_315 = arith.constant 0 : i32
      %dma_wait3A_316 = tpu.memref_slice %arg2[%add3A_284, %dma_wait3A_315] : memref<8192x1024xf32, #tpu.memory_space<hbm>> -> memref<16x1024xf32, #tpu.memory_space<hbm>>
      tpu.wait_dma2 semaphore(%run_scoped3A_0 : memref<!tpu.dma_semaphore, #tpu.memory_space<semaphore_mem>>) src(%dma_wait3A_316 : memref<16x1024xf32, #tpu.memory_space<hbm>>) dst(%dma_wait3A_314 : memref<16x1024xf32, #tpu.memory_space<vmem>>)
      %add3A_317 = arith.constant 112 : i32
      %add3A_318 = arith.addi %mul3A_4, %add3A_317 : i32
      %add3A_319 = arith.constant 0 : i32
      %add3A_320 = arith.addi %add3A_319, %add3A_318 : i32
      %dma_start3A_321 = arith.constant 0 : i32
      %dma_start3A_322 = arith.constant 0 : i32
      %dma_start3A_323 = tpu.memref_slice %run_scoped3A[%dma_start3A_321, %dma_start3A_322] : memref<112x1024xf32, #tpu.memory_space<vmem>> -> memref<56x1024xf32, #tpu.memory_space<vmem>>
      %dma_start3A_324 = arith.constant 0 : i32
      %dma_start3A_325 = arith.constant 0 : i32
      %dma_start3A_326 = tpu.memref_slice %dma_start3A_323[%dma_start3A_324, %dma_start3A_325] : memref<56x1024xf32, #tpu.memory_space<vmem>> -> memref<16x1024xf32, #tpu.memory_space<vmem>>
      %dma_start3A_327 = arith.constant 0 : i32
      %dma_start3A_328 = tpu.memref_slice %arg3[%add3A_320, %dma_start3A_327] : memref<16384x1024xf32, #tpu.memory_space<hbm>> -> memref<16x1024xf32, #tpu.memory_space<hbm>>
      %dma_start3A_329 = arith.constant 0 : i32
      %dma_start3A_330 = tpu.memref_slice %arg3[%add3A_320, %dma_start3A_329] : memref<16384x1024xf32, #tpu.memory_space<hbm>> -> memref<16x1024xf32, #tpu.memory_space<hbm>>
      %dma_start3A_331 = arith.constant 0 : i32
      %dma_start3A_332 = arith.constant 0 : i32
      %dma_start3A_333 = tpu.memref_slice %run_scoped3A[%dma_start3A_331, %dma_start3A_332] : memref<112x1024xf32, #tpu.memory_space<vmem>> -> memref<56x1024xf32, #tpu.memory_space<vmem>>
      %dma_start3A_334 = arith.constant 0 : i32
      %dma_start3A_335 = arith.constant 0 : i32
      %dma_start3A_336 = tpu.memref_slice %dma_start3A_333[%dma_start3A_334, %dma_start3A_335] : memref<56x1024xf32, #tpu.memory_space<vmem>> -> memref<16x1024xf32, #tpu.memory_space<vmem>>
      tpu.enqueue_dma source(%dma_start3A_336 : memref<16x1024xf32, #tpu.memory_space<vmem>>) target(%dma_start3A_330 : memref<16x1024xf32, #tpu.memory_space<hbm>>) target_semaphore(%run_scoped3A_1 : memref<!tpu.dma_semaphore, #tpu.memory_space<semaphore_mem>>)
      %add3A_337 = arith.constant 4096 : i32
      %add3A_338 = arith.addi %add3A_337, %add3A_318 : i32
      %dma_start3A_339 = arith.constant 0 : i32
      %dma_start3A_340 = arith.constant 0 : i32
      %dma_start3A_341 = tpu.memref_slice %run_scoped3A[%dma_start3A_339, %dma_start3A_340] : memref<112x1024xf32, #tpu.memory_space<vmem>> -> memref<56x1024xf32, #tpu.memory_space<vmem>>
      %dma_start3A_342 = arith.constant 0 : i32
      %dma_start3A_343 = arith.constant 0 : i32
      %dma_start3A_344 = tpu.memref_slice %dma_start3A_341[%dma_start3A_342, %dma_start3A_343] : memref<56x1024xf32, #tpu.memory_space<vmem>> -> memref<16x1024xf32, #tpu.memory_space<vmem>>
      %dma_start3A_345 = arith.constant 0 : i32
      %dma_start3A_346 = tpu.memref_slice %arg3[%add3A_338, %dma_start3A_345] : memref<16384x1024xf32, #tpu.memory_space<hbm>> -> memref<16x1024xf32, #tpu.memory_space<hbm>>
      %dma_start3A_347 = arith.constant 0 : i32
      %dma_start3A_348 = tpu.memref_slice %arg3[%add3A_338, %dma_start3A_347] : memref<16384x1024xf32, #tpu.memory_space<hbm>> -> memref<16x1024xf32, #tpu.memory_space<hbm>>
      %dma_start3A_349 = arith.constant 0 : i32
      %dma_start3A_350 = arith.constant 0 : i32
      %dma_start3A_351 = tpu.memref_slice %run_scoped3A[%dma_start3A_349, %dma_start3A_350] : memref<112x1024xf32, #tpu.memory_space<vmem>> -> memref<56x1024xf32, #tpu.memory_space<vmem>>
      %dma_start3A_352 = arith.constant 0 : i32
      %dma_start3A_353 = arith.constant 0 : i32
      %dma_start3A_354 = tpu.memref_slice %dma_start3A_351[%dma_start3A_352, %dma_start3A_353] : memref<56x1024xf32, #tpu.memory_space<vmem>> -> memref<16x1024xf32, #tpu.memory_space<vmem>>
      tpu.enqueue_dma source(%dma_start3A_354 : memref<16x1024xf32, #tpu.memory_space<vmem>>) target(%dma_start3A_348 : memref<16x1024xf32, #tpu.memory_space<hbm>>) target_semaphore(%run_scoped3A_1 : memref<!tpu.dma_semaphore, #tpu.memory_space<semaphore_mem>>)
      %add3A_355 = arith.constant 8192 : i32
      %add3A_356 = arith.addi %add3A_355, %add3A_318 : i32
      %dma_start3A_357 = arith.constant 0 : i32
      %dma_start3A_358 = arith.constant 0 : i32
      %dma_start3A_359 = tpu.memref_slice %run_scoped3A[%dma_start3A_357, %dma_start3A_358] : memref<112x1024xf32, #tpu.memory_space<vmem>> -> memref<56x1024xf32, #tpu.memory_space<vmem>>
      %dma_start3A_360 = arith.constant 0 : i32
      %dma_start3A_361 = arith.constant 0 : i32
      %dma_start3A_362 = tpu.memref_slice %dma_start3A_359[%dma_start3A_360, %dma_start3A_361] : memref<56x1024xf32, #tpu.memory_space<vmem>> -> memref<16x1024xf32, #tpu.memory_space<vmem>>
      %dma_start3A_363 = arith.constant 0 : i32
      %dma_start3A_364 = tpu.memref_slice %arg3[%add3A_356, %dma_start3A_363] : memref<16384x1024xf32, #tpu.memory_space<hbm>> -> memref<16x1024xf32, #tpu.memory_space<hbm>>
      %dma_start3A_365 = arith.constant 0 : i32
      %dma_start3A_366 = tpu.memref_slice %arg3[%add3A_356, %dma_start3A_365] : memref<16384x1024xf32, #tpu.memory_space<hbm>> -> memref<16x1024xf32, #tpu.memory_space<hbm>>
      %dma_start3A_367 = arith.constant 0 : i32
      %dma_start3A_368 = arith.constant 0 : i32
      %dma_start3A_369 = tpu.memref_slice %run_scoped3A[%dma_start3A_367, %dma_start3A_368] : memref<112x1024xf32, #tpu.memory_space<vmem>> -> memref<56x1024xf32, #tpu.memory_space<vmem>>
      %dma_start3A_370 = arith.constant 0 : i32
      %dma_start3A_371 = arith.constant 0 : i32
      %dma_start3A_372 = tpu.memref_slice %dma_start3A_369[%dma_start3A_370, %dma_start3A_371] : memref<56x1024xf32, #tpu.memory_space<vmem>> -> memref<16x1024xf32, #tpu.memory_space<vmem>>
      tpu.enqueue_dma source(%dma_start3A_372 : memref<16x1024xf32, #tpu.memory_space<vmem>>) target(%dma_start3A_366 : memref<16x1024xf32, #tpu.memory_space<hbm>>) target_semaphore(%run_scoped3A_1 : memref<!tpu.dma_semaphore, #tpu.memory_space<semaphore_mem>>)
      %add3A_373 = arith.constant 12288 : i32
      %add3A_374 = arith.addi %add3A_373, %add3A_318 : i32
      %dma_start3A_375 = arith.constant 0 : i32
      %dma_start3A_376 = arith.constant 0 : i32
      %dma_start3A_377 = tpu.memref_slice %run_scoped3A[%dma_start3A_375, %dma_start3A_376] : memref<112x1024xf32, #tpu.memory_space<vmem>> -> memref<56x1024xf32, #tpu.memory_space<vmem>>
      %dma_start3A_378 = arith.constant 0 : i32
      %dma_start3A_379 = arith.constant 0 : i32
      %dma_start3A_380 = tpu.memref_slice %dma_start3A_377[%dma_start3A_378, %dma_start3A_379] : memref<56x1024xf32, #tpu.memory_space<vmem>> -> memref<16x1024xf32, #tpu.memory_space<vmem>>
      %dma_start3A_381 = arith.constant 0 : i32
      %dma_start3A_382 = tpu.memref_slice %arg3[%add3A_374, %dma_start3A_381] : memref<16384x1024xf32, #tpu.memory_space<hbm>> -> memref<16x1024xf32, #tpu.memory_space<hbm>>
      %dma_start3A_383 = arith.constant 0 : i32
      %dma_start3A_384 = tpu.memref_slice %arg3[%add3A_374, %dma_start3A_383] : memref<16384x1024xf32, #tpu.memory_space<hbm>> -> memref<16x1024xf32, #tpu.memory_space<hbm>>
      %dma_start3A_385 = arith.constant 0 : i32
      %dma_start3A_386 = arith.constant 0 : i32
      %dma_start3A_387 = tpu.memref_slice %run_scoped3A[%dma_start3A_385, %dma_start3A_386] : memref<112x1024xf32, #tpu.memory_space<vmem>> -> memref<56x1024xf32, #tpu.memory_space<vmem>>
      %dma_start3A_388 = arith.constant 0 : i32
      %dma_start3A_389 = arith.constant 0 : i32
      %dma_start3A_390 = tpu.memref_slice %dma_start3A_387[%dma_start3A_388, %dma_start3A_389] : memref<56x1024xf32, #tpu.memory_space<vmem>> -> memref<16x1024xf32, #tpu.memory_space<vmem>>
      tpu.enqueue_dma source(%dma_start3A_390 : memref<16x1024xf32, #tpu.memory_space<vmem>>) target(%dma_start3A_384 : memref<16x1024xf32, #tpu.memory_space<hbm>>) target_semaphore(%run_scoped3A_1 : memref<!tpu.dma_semaphore, #tpu.memory_space<semaphore_mem>>)
      %dma_wait3A_391 = arith.constant 0 : i32
      %dma_wait3A_392 = arith.constant 0 : i32
      %dma_wait3A_393 = tpu.memref_slice %run_scoped3A[%dma_wait3A_391, %dma_wait3A_392] : memref<112x1024xf32, #tpu.memory_space<vmem>> -> memref<56x1024xf32, #tpu.memory_space<vmem>>
      %dma_wait3A_394 = arith.constant 0 : i32
      %dma_wait3A_395 = arith.constant 0 : i32
      %dma_wait3A_396 = tpu.memref_slice %dma_wait3A_393[%dma_wait3A_394, %dma_wait3A_395] : memref<56x1024xf32, #tpu.memory_space<vmem>> -> memref<16x1024xf32, #tpu.memory_space<vmem>>
      %dma_wait3A_397 = arith.constant 0 : i32
      %dma_wait3A_398 = tpu.memref_slice %arg3[%add3A_320, %dma_wait3A_397] : memref<16384x1024xf32, #tpu.memory_space<hbm>> -> memref<16x1024xf32, #tpu.memory_space<hbm>>
      %dma_wait3A_399 = arith.constant 0 : i32
      %dma_wait3A_400 = tpu.memref_slice %arg3[%add3A_320, %dma_wait3A_399] : memref<16384x1024xf32, #tpu.memory_space<hbm>> -> memref<16x1024xf32, #tpu.memory_space<hbm>>
      %dma_wait3A_401 = arith.constant 0 : i32
      %dma_wait3A_402 = arith.constant 0 : i32
      %dma_wait3A_403 = tpu.memref_slice %run_scoped3A[%dma_wait3A_401, %dma_wait3A_402] : memref<112x1024xf32, #tpu.memory_space<vmem>> -> memref<56x1024xf32, #tpu.memory_space<vmem>>
      %dma_wait3A_404 = arith.constant 0 : i32
      %dma_wait3A_405 = arith.constant 0 : i32
      %dma_wait3A_406 = tpu.memref_slice %dma_wait3A_403[%dma_wait3A_404, %dma_wait3A_405] : memref<56x1024xf32, #tpu.memory_space<vmem>> -> memref<16x1024xf32, #tpu.memory_space<vmem>>
      tpu.wait_dma2 semaphore(%run_scoped3A_1 : memref<!tpu.dma_semaphore, #tpu.memory_space<semaphore_mem>>) src(%dma_wait3A_406 : memref<16x1024xf32, #tpu.memory_space<vmem>>) dst(%dma_wait3A_400 : memref<16x1024xf32, #tpu.memory_space<hbm>>)
      %dma_wait3A_407 = arith.constant 0 : i32
      %dma_wait3A_408 = arith.constant 0 : i32
      %dma_wait3A_409 = tpu.memref_slice %run_scoped3A[%dma_wait3A_407, %dma_wait3A_408] : memref<112x1024xf32, #tpu.memory_space<vmem>> -> memref<56x1024xf32, #tpu.memory_space<vmem>>
      %dma_wait3A_410 = arith.constant 0 : i32
      %dma_wait3A_411 = arith.constant 0 : i32
      %dma_wait3A_412 = tpu.memref_slice %dma_wait3A_409[%dma_wait3A_410, %dma_wait3A_411] : memref<56x1024xf32, #tpu.memory_space<vmem>> -> memref<16x1024xf32, #tpu.memory_space<vmem>>
      %dma_wait3A_413 = arith.constant 0 : i32
      %dma_wait3A_414 = tpu.memref_slice %arg3[%add3A_338, %dma_wait3A_413] : memref<16384x1024xf32, #tpu.memory_space<hbm>> -> memref<16x1024xf32, #tpu.memory_space<hbm>>
      %dma_wait3A_415 = arith.constant 0 : i32
      %dma_wait3A_416 = tpu.memref_slice %arg3[%add3A_338, %dma_wait3A_415] : memref<16384x1024xf32, #tpu.memory_space<hbm>> -> memref<16x1024xf32, #tpu.memory_space<hbm>>
      %dma_wait3A_417 = arith.constant 0 : i32
      %dma_wait3A_418 = arith.constant 0 : i32
      %dma_wait3A_419 = tpu.memref_slice %run_scoped3A[%dma_wait3A_417, %dma_wait3A_418] : memref<112x1024xf32, #tpu.memory_space<vmem>> -> memref<56x1024xf32, #tpu.memory_space<vmem>>
      %dma_wait3A_420 = arith.constant 0 : i32
      %dma_wait3A_421 = arith.constant 0 : i32
      %dma_wait3A_422 = tpu.memref_slice %dma_wait3A_419[%dma_wait3A_420, %dma_wait3A_421] : memref<56x1024xf32, #tpu.memory_space<vmem>> -> memref<16x1024xf32, #tpu.memory_space<vmem>>
      tpu.wait_dma2 semaphore(%run_scoped3A_1 : memref<!tpu.dma_semaphore, #tpu.memory_space<semaphore_mem>>) src(%dma_wait3A_422 : memref<16x1024xf32, #tpu.memory_space<vmem>>) dst(%dma_wait3A_416 : memref<16x1024xf32, #tpu.memory_space<hbm>>)
      %dma_wait3A_423 = arith.constant 0 : i32
      %dma_wait3A_424 = arith.constant 0 : i32
      %dma_wait3A_425 = tpu.memref_slice %run_scoped3A[%dma_wait3A_423, %dma_wait3A_424] : memref<112x1024xf32, #tpu.memory_space<vmem>> -> memref<56x1024xf32, #tpu.memory_space<vmem>>
      %dma_wait3A_426 = arith.constant 0 : i32
      %dma_wait3A_427 = arith.constant 0 : i32
      %dma_wait3A_428 = tpu.memref_slice %dma_wait3A_425[%dma_wait3A_426, %dma_wait3A_427] : memref<56x1024xf32, #tpu.memory_space<vmem>> -> memref<16x1024xf32, #tpu.memory_space<vmem>>
      %dma_wait3A_429 = arith.constant 0 : i32
      %dma_wait3A_430 = tpu.memref_slice %arg3[%add3A_356, %dma_wait3A_429] : memref<16384x1024xf32, #tpu.memory_space<hbm>> -> memref<16x1024xf32, #tpu.memory_space<hbm>>
      %dma_wait3A_431 = arith.constant 0 : i32
      %dma_wait3A_432 = tpu.memref_slice %arg3[%add3A_356, %dma_wait3A_431] : memref<16384x1024xf32, #tpu.memory_space<hbm>> -> memref<16x1024xf32, #tpu.memory_space<hbm>>
      %dma_wait3A_433 = arith.constant 0 : i32
      %dma_wait3A_434 = arith.constant 0 : i32
      %dma_wait3A_435 = tpu.memref_slice %run_scoped3A[%dma_wait3A_433, %dma_wait3A_434] : memref<112x1024xf32, #tpu.memory_space<vmem>> -> memref<56x1024xf32, #tpu.memory_space<vmem>>
      %dma_wait3A_436 = arith.constant 0 : i32
      %dma_wait3A_437 = arith.constant 0 : i32
      %dma_wait3A_438 = tpu.memref_slice %dma_wait3A_435[%dma_wait3A_436, %dma_wait3A_437] : memref<56x1024xf32, #tpu.memory_space<vmem>> -> memref<16x1024xf32, #tpu.memory_space<vmem>>
      tpu.wait_dma2 semaphore(%run_scoped3A_1 : memref<!tpu.dma_semaphore, #tpu.memory_space<semaphore_mem>>) src(%dma_wait3A_438 : memref<16x1024xf32, #tpu.memory_space<vmem>>) dst(%dma_wait3A_432 : memref<16x1024xf32, #tpu.memory_space<hbm>>)
      %dma_wait3A_439 = arith.constant 0 : i32
      %dma_wait3A_440 = arith.constant 0 : i32
      %dma_wait3A_441 = tpu.memref_slice %run_scoped3A[%dma_wait3A_439, %dma_wait3A_440] : memref<112x1024xf32, #tpu.memory_space<vmem>> -> memref<56x1024xf32, #tpu.memory_space<vmem>>
      %dma_wait3A_442 = arith.constant 0 : i32
      %dma_wait3A_443 = arith.constant 0 : i32
      %dma_wait3A_444 = tpu.memref_slice %dma_wait3A_441[%dma_wait3A_442, %dma_wait3A_443] : memref<56x1024xf32, #tpu.memory_space<vmem>> -> memref<16x1024xf32, #tpu.memory_space<vmem>>
      %dma_wait3A_445 = arith.constant 0 : i32
      %dma_wait3A_446 = tpu.memref_slice %arg3[%add3A_374, %dma_wait3A_445] : memref<16384x1024xf32, #tpu.memory_space<hbm>> -> memref<16x1024xf32, #tpu.memory_space<hbm>>
      %dma_wait3A_447 = arith.constant 0 : i32
      %dma_wait3A_448 = tpu.memref_slice %arg3[%add3A_374, %dma_wait3A_447] : memref<16384x1024xf32, #tpu.memory_space<hbm>> -> memref<16x1024xf32, #tpu.memory_space<hbm>>
      %dma_wait3A_449 = arith.constant 0 : i32
      %dma_wait3A_450 = arith.constant 0 : i32
      %dma_wait3A_451 = tpu.memref_slice %run_scoped3A[%dma_wait3A_449, %dma_wait3A_450] : memref<112x1024xf32, #tpu.memory_space<vmem>> -> memref<56x1024xf32, #tpu.memory_space<vmem>>
      %dma_wait3A_452 = arith.constant 0 : i32
      %dma_wait3A_453 = arith.constant 0 : i32
      %dma_wait3A_454 = tpu.memref_slice %dma_wait3A_451[%dma_wait3A_452, %dma_wait3A_453] : memref<56x1024xf32, #tpu.memory_space<vmem>> -> memref<16x1024xf32, #tpu.memory_space<vmem>>
      tpu.wait_dma2 semaphore(%run_scoped3A_1 : memref<!tpu.dma_semaphore, #tpu.memory_space<semaphore_mem>>) src(%dma_wait3A_454 : memref<16x1024xf32, #tpu.memory_space<vmem>>) dst(%dma_wait3A_448 : memref<16x1024xf32, #tpu.memory_space<hbm>>)
      %dma_wait3A_455 = arith.constant 56 : i32
      %dma_wait3A_456 = arith.constant 0 : i32
      %dma_wait3A_457 = tpu.memref_slice %run_scoped3A[%dma_wait3A_455, %dma_wait3A_456] : memref<112x1024xf32, #tpu.memory_space<vmem>> -> memref<56x1024xf32, #tpu.memory_space<vmem>>
      %dma_wait3A_458 = arith.constant 0 : i32
      %dma_wait3A_459 = arith.constant 0 : i32
      %dma_wait3A_460 = tpu.memref_slice %dma_wait3A_457[%dma_wait3A_458, %dma_wait3A_459] : memref<56x1024xf32, #tpu.memory_space<vmem>> -> memref<56x1024xf32, #tpu.memory_space<vmem>>
      %dma_wait3A_461 = arith.constant 0 : i32
      %dma_wait3A_462 = tpu.memref_slice %arg3[%add3A_148, %dma_wait3A_461] : memref<16384x1024xf32, #tpu.memory_space<hbm>> -> memref<56x1024xf32, #tpu.memory_space<hbm>>
      %dma_wait3A_463 = arith.constant 0 : i32
      %dma_wait3A_464 = tpu.memref_slice %arg3[%add3A_148, %dma_wait3A_463] : memref<16384x1024xf32, #tpu.memory_space<hbm>> -> memref<56x1024xf32, #tpu.memory_space<hbm>>
      %dma_wait3A_465 = arith.constant 56 : i32
      %dma_wait3A_466 = arith.constant 0 : i32
      %dma_wait3A_467 = tpu.memref_slice %run_scoped3A[%dma_wait3A_465, %dma_wait3A_466] : memref<112x1024xf32, #tpu.memory_space<vmem>> -> memref<56x1024xf32, #tpu.memory_space<vmem>>
      %dma_wait3A_468 = arith.constant 0 : i32
      %dma_wait3A_469 = arith.constant 0 : i32
      %dma_wait3A_470 = tpu.memref_slice %dma_wait3A_467[%dma_wait3A_468, %dma_wait3A_469] : memref<56x1024xf32, #tpu.memory_space<vmem>> -> memref<56x1024xf32, #tpu.memory_space<vmem>>
      tpu.wait_dma2 semaphore(%run_scoped3A_1 : memref<!tpu.dma_semaphore, #tpu.memory_space<semaphore_mem>>) src(%dma_wait3A_470 : memref<56x1024xf32, #tpu.memory_space<vmem>>) dst(%dma_wait3A_464 : memref<56x1024xf32, #tpu.memory_space<hbm>>)
      %dma_wait3A_471 = arith.constant 56 : i32
      %dma_wait3A_472 = arith.constant 0 : i32
      %dma_wait3A_473 = tpu.memref_slice %run_scoped3A[%dma_wait3A_471, %dma_wait3A_472] : memref<112x1024xf32, #tpu.memory_space<vmem>> -> memref<56x1024xf32, #tpu.memory_space<vmem>>
      %dma_wait3A_474 = arith.constant 0 : i32
      %dma_wait3A_475 = arith.constant 0 : i32
      %dma_wait3A_476 = tpu.memref_slice %dma_wait3A_473[%dma_wait3A_474, %dma_wait3A_475] : memref<56x1024xf32, #tpu.memory_space<vmem>> -> memref<56x1024xf32, #tpu.memory_space<vmem>>
      %dma_wait3A_477 = arith.constant 0 : i32
      %dma_wait3A_478 = tpu.memref_slice %arg3[%add3A_166, %dma_wait3A_477] : memref<16384x1024xf32, #tpu.memory_space<hbm>> -> memref<56x1024xf32, #tpu.memory_space<hbm>>
      %dma_wait3A_479 = arith.constant 0 : i32
      %dma_wait3A_480 = tpu.memref_slice %arg3[%add3A_166, %dma_wait3A_479] : memref<16384x1024xf32, #tpu.memory_space<hbm>> -> memref<56x1024xf32, #tpu.memory_space<hbm>>
      %dma_wait3A_481 = arith.constant 56 : i32
      %dma_wait3A_482 = arith.constant 0 : i32
      %dma_wait3A_483 = tpu.memref_slice %run_scoped3A[%dma_wait3A_481, %dma_wait3A_482] : memref<112x1024xf32, #tpu.memory_space<vmem>> -> memref<56x1024xf32, #tpu.memory_space<vmem>>
      %dma_wait3A_484 = arith.constant 0 : i32
      %dma_wait3A_485 = arith.constant 0 : i32
      %dma_wait3A_486 = tpu.memref_slice %dma_wait3A_483[%dma_wait3A_484, %dma_wait3A_485] : memref<56x1024xf32, #tpu.memory_space<vmem>> -> memref<56x1024xf32, #tpu.memory_space<vmem>>
      tpu.wait_dma2 semaphore(%run_scoped3A_1 : memref<!tpu.dma_semaphore, #tpu.memory_space<semaphore_mem>>) src(%dma_wait3A_486 : memref<56x1024xf32, #tpu.memory_space<vmem>>) dst(%dma_wait3A_480 : memref<56x1024xf32, #tpu.memory_space<hbm>>)
      %dma_wait3A_487 = arith.constant 56 : i32
      %dma_wait3A_488 = arith.constant 0 : i32
      %dma_wait3A_489 = tpu.memref_slice %run_scoped3A[%dma_wait3A_487, %dma_wait3A_488] : memref<112x1024xf32, #tpu.memory_space<vmem>> -> memref<56x1024xf32, #tpu.memory_space<vmem>>
      %dma_wait3A_490 = arith.constant 0 : i32
      %dma_wait3A_491 = arith.constant 0 : i32
      %dma_wait3A_492 = tpu.memref_slice %dma_wait3A_489[%dma_wait3A_490, %dma_wait3A_491] : memref<56x1024xf32, #tpu.memory_space<vmem>> -> memref<56x1024xf32, #tpu.memory_space<vmem>>
      %dma_wait3A_493 = arith.constant 0 : i32
      %dma_wait3A_494 = tpu.memref_slice %arg3[%add3A_184, %dma_wait3A_493] : memref<16384x1024xf32, #tpu.memory_space<hbm>> -> memref<56x1024xf32, #tpu.memory_space<hbm>>
      %dma_wait3A_495 = arith.constant 0 : i32
      %dma_wait3A_496 = tpu.memref_slice %arg3[%add3A_184, %dma_wait3A_495] : memref<16384x1024xf32, #tpu.memory_space<hbm>> -> memref<56x1024xf32, #tpu.memory_space<hbm>>
      %dma_wait3A_497 = arith.constant 56 : i32
      %dma_wait3A_498 = arith.constant 0 : i32
      %dma_wait3A_499 = tpu.memref_slice %run_scoped3A[%dma_wait3A_497, %dma_wait3A_498] : memref<112x1024xf32, #tpu.memory_space<vmem>> -> memref<56x1024xf32, #tpu.memory_space<vmem>>
      %dma_wait3A_500 = arith.constant 0 : i32
      %dma_wait3A_501 = arith.constant 0 : i32
      %dma_wait3A_502 = tpu.memref_slice %dma_wait3A_499[%dma_wait3A_500, %dma_wait3A_501] : memref<56x1024xf32, #tpu.memory_space<vmem>> -> memref<56x1024xf32, #tpu.memory_space<vmem>>
      tpu.wait_dma2 semaphore(%run_scoped3A_1 : memref<!tpu.dma_semaphore, #tpu.memory_space<semaphore_mem>>) src(%dma_wait3A_502 : memref<56x1024xf32, #tpu.memory_space<vmem>>) dst(%dma_wait3A_496 : memref<56x1024xf32, #tpu.memory_space<hbm>>)
      %dma_wait3A_503 = arith.constant 56 : i32
      %dma_wait3A_504 = arith.constant 0 : i32
      %dma_wait3A_505 = tpu.memref_slice %run_scoped3A[%dma_wait3A_503, %dma_wait3A_504] : memref<112x1024xf32, #tpu.memory_space<vmem>> -> memref<56x1024xf32, #tpu.memory_space<vmem>>
      %dma_wait3A_506 = arith.constant 0 : i32
      %dma_wait3A_507 = arith.constant 0 : i32
      %dma_wait3A_508 = tpu.memref_slice %dma_wait3A_505[%dma_wait3A_506, %dma_wait3A_507] : memref<56x1024xf32, #tpu.memory_space<vmem>> -> memref<56x1024xf32, #tpu.memory_space<vmem>>
      %dma_wait3A_509 = arith.constant 0 : i32
      %dma_wait3A_510 = tpu.memref_slice %arg3[%add3A_202, %dma_wait3A_509] : memref<16384x1024xf32, #tpu.memory_space<hbm>> -> memref<56x1024xf32, #tpu.memory_space<hbm>>
      %dma_wait3A_511 = arith.constant 0 : i32
      %dma_wait3A_512 = tpu.memref_slice %arg3[%add3A_202, %dma_wait3A_511] : memref<16384x1024xf32, #tpu.memory_space<hbm>> -> memref<56x1024xf32, #tpu.memory_space<hbm>>
      %dma_wait3A_513 = arith.constant 56 : i32
      %dma_wait3A_514 = arith.constant 0 : i32
      %dma_wait3A_515 = tpu.memref_slice %run_scoped3A[%dma_wait3A_513, %dma_wait3A_514] : memref<112x1024xf32, #tpu.memory_space<vmem>> -> memref<56x1024xf32, #tpu.memory_space<vmem>>
      %dma_wait3A_516 = arith.constant 0 : i32
      %dma_wait3A_517 = arith.constant 0 : i32
      %dma_wait3A_518 = tpu.memref_slice %dma_wait3A_515[%dma_wait3A_516, %dma_wait3A_517] : memref<56x1024xf32, #tpu.memory_space<vmem>> -> memref<56x1024xf32, #tpu.memory_space<vmem>>
      tpu.wait_dma2 semaphore(%run_scoped3A_1 : memref<!tpu.dma_semaphore, #tpu.memory_space<semaphore_mem>>) src(%dma_wait3A_518 : memref<56x1024xf32, #tpu.memory_space<vmem>>) dst(%dma_wait3A_512 : memref<56x1024xf32, #tpu.memory_space<hbm>>)
      tpu.yield
    }) : () -> ()
    return
  }
}

</mosaic_0001>

<sc_bundles>
// kernel: kernel.3.cloned.1.call-start
scs
__scs_entry_jumppad:
0x0: {  	(pc) =	sbr.rel $0x88, $3  }
0x1: {  	(tag) =	ssettag $0x0;
	lr =	simm.s32 $0x1  }
0x2: {  	[smem:$0x3FA0] =	sst lr;
	_ =	strace $0xD0000000  }
0x3: {  	_ = 	snop  }
0x4: {  	_ = 	snop  }
0x5: {  	_ = 	snop  }
0x6: {  	_ = 	snop  }
0x7: {  	_ = 	snop  }
__scs_overlays_trampoline_lowered:
0x8: {  	[smem:$0x3FAF] =	sst s0  }
0x9: {  	[smem:$0x3FB0] =	sst s1  }
0xa: {  	[smem:$0x3FB1] =	sst s2  }
0xb: {  	[smem:$0x3FB2] =	sst s3  }
0xc: {  	[smem:$0x3FB3] =	sst s4  }
0xd: {  	[smem:$0x3FB4] =	sst s5  }
0xe: {  	[smem:$0x3FB5] =	sst s6  }
0xf: {  	[smem:$0x3FB6] =	sst s7  }
0x10: {  	[smem:$0x3FB7] =	sst s8  }
0x11: {  	[smem:$0x3FB8] =	sst s9;
	s0 =	simm.s32 @!p0 $0x0  }
0x12: {  	s1 =	sld [smem:$0x3F9E];
	s0 =	simm.s32 @p0 $0x1  }
0x13: {  	[smem:$0x3FB9] =	sst s0;
	s0 =	simm.s32 @!p1 $0x0  }
0x14: {  	s2 =	sld [smem:$0x3F9D];
	s0 =	simm.s32 @p1 $0x1  }
0x15: {  	[smem:$0x3FBA] =	sst s0;
	s0 =	simm.s32 @!p2 $0x0  }
0x16: {  	s3 =	sld [smem:$0x3FDB];
	s0 =	simm.s32 @p2 $0x1  }
0x17: {  	s4 =	simm.s32 $0x1BF5;
	[smem:$0x3FBC] =	sst s0  }
0x18: {  	s0 =	sld [smem:$0x3F9F];
	_ =	swait.ge [sflag:s4], $0x0  }
0x19: {  	s7 =	sld [smem:$0x3FA0]  }
0x1a: {  	s8 =	sadd.s32 $0xFFFFE003, lr  }
0x1b: {  	s9 =	sadd.s32 $0xFFFFFEF7, lr;
	s5 =	simm.s32 $0xFFFFFFFF;
	p2 =	slt.u32 s8, $0xFFFFF086  }
0x1c: {  	p1 =	slt.u32 s9, $0xF7A;
	s5 =	simm.s32 @!p2 $0x0  }
0x1d: {  	s5 =	simm.s32 @p1 $0x1;
	p0 =	seq.s32 s7, s2  }
0x1e: {  	s7 =	smul.u32 @!p0 $0xF7A, s2;
	p2 =	seq.s32 @!p0 s5, $0x0  }
0x1f: {  	s9 =	smul.u32 $0xF7A, s1;
	s8 =	simm.s32 @!p0 $0x1BF5;
	p2 =	por !p2, p0  }
0x20: {  	[sflag:s8] =	ssyncset.s32 @!p0 $0xFFFFF086;
	s6 =	sadd.s32 @!p0 s3, s7;
	s7 =	simm.s32 @!p0 $0x108  }
0x21: {  	s3 =	sadd.s32 s3, s9;
	s6 =	sadd.s32 @!p0 $0x88, s6;
	s7 =	simm.s32 @p2 $0x1082  }
0x22: {  	[simem:s7], [sflag:s8] =	dma.local @!p0 [hbm:s6], $0xF7A  }
0x23: {  	s9 =	sor.u32 $0xD0000000, s2;
	s6 =	simm.s32 $0x108;
	_ =	swait.ge @!p0 [sflag:s8], $0x0  }
0x24: {  	s3 =	sadd.s32 $0x88, s3;
	s6 =	simm.s32 @!p1 $0x1082;
	[sflag:s4] =	ssyncset.s32 $0xFFFFF086  }
0x25: {  	[simem:s6], [sflag:s4] =	dma.local [hbm:s3], $0xF7A  }
0x26: {  	[smem:$0x3FA0] =	sst s1;
	(tag) =	ssettag s2;
	_ =	strace s9  }
0x27: {  	s1 =	sld [smem:$0x3FB0]  }
0x28: {  	s2 =	sld [smem:$0x3FB1]  }
0x29: {  	s4 =	sld [smem:$0x3FB3]  }
0x2a: {  	p0 =	seq.s32 s5, $0x0;
	s5 =	sld [smem:$0x3FB4]  }
0x2b: {  	s6 =	sld [smem:$0x3FB5]  }
0x2c: {  	s7 =	sld [smem:$0x3FB6]  }
0x2d: {  	s3 =	simm.s32 $0x108;
	s8 =	sld [smem:$0x3FB7]  }
0x2e: {  	s3 =	simm.s32 @!p0 $0x1082;
	s9 =	sld [smem:$0x3FB8]  }
0x2f: {  	lr =	sadd.s32 s0, s3;
	s0 =	sld [smem:$0x3FAF]  }
0x30: {  	s3 =	sld [smem:$0x3FB2]  }
0x31: {  	[smem:$0x3FBB] =	sst s10  }
0x32: {  	s10 =	sld [smem:$0x3FB9];
	_ =	sdelay $0x3  }
0x33: {  	p0 =	seq.s32 s10, $0x1;
	s10 =	sld [smem:$0x3FBB];
	_ =	sdelay $0x3  }
0x34: {  	[smem:$0x3FBB] =	sst s10  }
0x35: {  	s10 =	sld [smem:$0x3FBA];
	_ =	sdelay $0x3  }
0x36: {  	p1 =	seq.s32 s10, $0x1;
	s10 =	sld [smem:$0x3FBB];
	_ =	sdelay $0x3  }
0x37: {  	[smem:$0x3FBB] =	sst s10  }
0x38: {  	s10 =	sld [smem:$0x3FBC]  }
0x39: {  	_ = 	snop;
	(pc) =	sbr.ind lr, $3  }
0x3a: {  	_ = 	snop  }
0x3b: {  	_ = 	snop  }
0x3c: {  	p2 =	seq.s32 s10, $0x1;
	s10 =	sld [smem:$0x3FBB]  }
0x3d: {  	_ =	shalt  }
0x3e: {  	_ =	shalt  }
0x3f: {  	_ =	shalt  }
0x40: {  	_ =	shalt  }
0x41: {  	_ =	shalt  }
0x42: {  	_ =	shalt  }
0x43: {  	_ =	shalt  }
0x44: {  	_ =	shalt  }
0x45: {  	_ =	shalt  }
0x46: {  	_ =	shalt  }
0x47: {  	_ =	shalt  }
0x48: {  	_ =	shalt  }
0x49: {  	_ =	shalt  }
0x4a: {  	_ =	shalt  }
0x4b: {  	_ =	shalt  }
0x4c: {  	_ =	shalt  }
0x4d: {  	_ =	shalt  }
0x4e: {  	_ =	shalt  }
0x4f: {  	_ =	shalt  }
0x50: {  	_ =	shalt  }
0x51: {  	_ =	shalt  }
0x52: {  	_ =	shalt  }
0x53: {  	_ =	shalt  }
0x54: {  	_ =	shalt  }
0x55: {  	_ =	shalt  }
0x56: {  	_ =	shalt  }
0x57: {  	_ =	shalt  }
0x58: {  	_ =	shalt  }
0x59: {  	_ =	shalt  }
0x5a: {  	_ =	shalt  }
0x5b: {  	_ =	shalt  }
0x5c: {  	_ =	shalt  }
0x5d: {  	_ =	shalt  }
0x5e: {  	_ =	shalt  }
0x5f: {  	_ =	shalt  }
0x60: {  	_ =	shalt  }
0x61: {  	_ =	shalt  }
0x62: {  	_ =	shalt  }
0x63: {  	_ =	shalt  }
0x64: {  	_ =	shalt  }
0x65: {  	_ =	shalt  }
0x66: {  	_ =	shalt  }
0x67: {  	_ =	shalt  }
0x68: {  	_ =	shalt  }
0x69: {  	_ =	shalt  }
0x6a: {  	_ =	shalt  }
0x6b: {  	_ =	shalt  }
0x6c: {  	_ =	shalt  }
0x6d: {  	_ =	shalt  }
0x6e: {  	_ =	shalt  }
0x6f: {  	_ =	shalt  }
0x70: {  	_ =	shalt  }
0x71: {  	_ =	shalt  }
0x72: {  	_ =	shalt  }
0x73: {  	_ =	shalt  }
0x74: {  	_ =	shalt  }
0x75: {  	_ =	shalt  }
0x76: {  	_ =	shalt  }
0x77: {  	_ =	shalt  }
0x78: {  	_ =	shalt  }
0x79: {  	_ =	shalt  }
0x7a: {  	_ =	shalt  }
0x7b: {  	_ =	shalt  }
0x7c: {  	_ =	shalt  }
0x7d: {  	_ =	shalt  }
0x7e: {  	_ =	shalt  }
0x7f: {  	_ =	shalt  }
0x80: {  	_ =	shalt  }
0x81: {  	_ =	shalt  }
0x82: {  	_ =	shalt  }
0x83: {  	_ =	shalt  }
0x84: {  	_ =	shalt  }
0x85: {  	_ =	shalt  }
0x86: {  	_ =	shalt  }
0x87: {  	_ =	shalt  }
.Lfunc_end0:
.L_simem_size_0:
called_computation_lowered:
.L_overlay_start_0:
0x88: {  	s2 =	sld [smem:$0x3FD9]  }
0x89: {  	s3 =	sld [smem:$0x3FFE];
	_ =	sdelay $0x1  }
0x8a: {  	s1 =	srdreg.scid  }
0x8b: {  	s0 =	sand.u32 $0x1, s1  }
0x8c: {  	s18 =	sshll.u32 s0, $0xA;
	s2 =	sadd.s32 s3, s2  }
0x8d: {  	s2 =	sadd.s32 s2, s18  }
0x8e: {  	[smem:$0x3FC7] =	sst s2  }
0x8f: {  	_ = 	snop  }
0x90: {  	s2 =	sld [smem:$0x3FC9]  }
0x91: {  	s19 =	sld [smem:$0x3FD0];
	(tm) =	ssettm $0x1  }
0x92: {  	s4 =	sld [smem:$0x3FFB];
	_ =	sdelay $0x3  }
0x93: {  	_ =	strace s4  }
0x94: {  	s4 =	sld [smem:$0x3FFC];
	_ =	sdelay $0x3  }
0x95: {  	_ =	strace s4  }
0x96: {  	s4 =	sld [smem:$0x3FFD];
	_ =	sdelay $0x3  }
0x97: {  	_ =	strace s4  }
0x98: {  	_ =	strace $0x8FFFFFFF  }
0x99: {  	s20 =	sld [smem:$0x3FDB];
	_ =	sdelay $0x1  }
0x9a: {  	s5 =	simm.s32 $_scs_section_size  }
0x9b: {  	s6 =	simm.s32 $_size__tile_overlayer_lowered;
	s7 =	simm.s32 $_tile_overlayer_lowered  }
0x9c: {  	s23 =	simm.s32 $0x1BFF;
	s22 =	sshll.u32 s7, $0x1;
	s4 =	sadd.s32 s5, s20  }
0x9d: {  	s8 =	simm.s32 $0x0;
	s21 =	sshll.u32 s6, $0x1;
	s6 =	sadd.s32 s22, s4  }
0x9e: {  	[timem:s8], [sflag:s23] =	dma.local [hbm:s6], s21  }
0x9f: {  	_ =	swait.ge [sflag:s23], s21  }
0xa0: {  	s5 =	ssub.s32 $0x0, s21;
	[sflag:s23] =	ssyncset.done $0x0  }
0xa1: {  	[sflag:s23] =	ssyncadd.s32 s5;
	_ =	sdelay $0x1  }
0xa2: {  	s24 =	simm.s32 $0x1B8B  }
0xa3: {  	_ =	swait.ge [sflag:s24], $0x1  }
0xa4: {  	[sflag:s24] =	ssyncset.done $0x0  }
0xa5: {  	s25 =	simm.s32 $0x1B8E;
	[sflag:s24] =	ssyncadd.s32 $0xFFFFFFFF  }
0xa6: {  	s26 =	simm.s32 $execute0_lowered;
	[smem:$0x3FD2] =	sst s25  }
0xa7: {  	s5 =	sshll.u32 s26, $0x1;
	_ =	strace $0x80000046;
	[dreg:$0x1] =	wrdreg $0xFFFFFFFF  }
0xa8: {  	s28 =	simm.s32 $_size_execute0_lowered;
	s4 =	sadd.s32 s4, s5;
	[dreg:$0x0] =	wrdreg $0x0  }
0xa9: {  	s5 =	sshll.u32 s28, $0x1;
	[dreg:$0x2] =	wrdreg s4  }
0xaa: {  	[dreg:$0x3] =	wrdreg s5  }
0xab: {  	[dreg:$0x4] =	wrdreg $0xC0  }
0xac: {  	_ =	task [dreg:s8], $0x5FFFF  }
0xad: {  	[dreg:$0x1] =	wrdreg $0xFFFFFFFF  }
0xae: {  	[dreg:$0x0] =	wrdreg $0x60  }
0xaf: {  	[dreg:$0x2] =	wrdreg s2  }
0xb0: {  	[dreg:$0x3] =	wrdreg s19  }
0xb1: {  	[dreg:$0x4] =	wrdreg $0x9  }
0xb2: {  	_ =	task.clear_ibuf [dreg:s8], $0x5FFFF;
	_ =	strace $0x90000046  }
0xb3: {  	s29 =	simm.s32 $0x9;
	_ =	strace $0x80000048  }
0xb4: {  	_ =	swait.ge [sflag:s29], $0x1  }
0xb5: {  	[sflag:s29] =	ssyncadd.s32 $0xFFFFFFFF  }
0xb6: {  	_ =	strace $0x90000048  }
0xb7: {  	_ =	sfence  }
0xb8: {  	s30 =	sld [smem:$0x0];
	_ =	sdelay $0x2  }
0xb9: {  	s31 =	sshll.u32 s1, $0xD;
	s1 =	sshrl.u32 s1, $0x2  }
0xba: {  	s3 =	sand.u32 $0x4000, s31;
	s1 =	sadd.s32 s1, s30  }
0xbb: {  	s0 =	sor.u32 s3, s0;
	s1 =	sshll.u32 s1, $0x11  }
0xbc: {  	s0 =	sor.u32 s1, s0  }
0xbd: {  	s0 =	sadd.s32 $0x8F2B, s0  }
0xbe: {  	[sflag:s0] =	ssyncadd.remote.s32 $0x1  }
0xbf: {  	_ =	sfence.sel $0xFFFF  }
0xc0: {  	[dreg:$0x0] =	wrdreg $0xFFFFFFFF;
	(pc) =	sbr.abs _section_cstart, $3  }
0xc1: {  	[dreg:$0x1] =	wrdreg $0xFFFFFFFF  }
0xc2: {  	_ =	task.clear_ibuf [dreg:s8], $0x2FFFF;
	_ =	strace $0x9FFFFFFF  }
0xc3: {  	(tm) =	ssettm $0x7FFFFFFF  }
tec
execute0_lowered:
.L_overlay_start_1:
0x0: {  	(tag) =	ssettag $0x1  }
0x1: {  	s16 =	rddreg [dreg:$0x0]  }
0x2: {  	s17 =	rddreg [dreg:$0x1];
	s2 =	srdreg.scid  }
0x3: {  	s0 =	rddreg [dreg:$0x2];
	s1 =	stileid.u32;
	s21 =	sand.u32 $0x1, s2  }
0x4: {  	s2 =	simm.s32 $0x0;
	s3 =	sshll.u32 s1, $0xF;
	s4 =	sshll.u32 s21, $0xE  }
0x5: {  	[smem:$0x7FF] =	sst s2;
	s18 =	sor.u32 s4, s3  }
0x6: {  	_ =	strace $0x80000047;
	s3 =	sadd.s32 s16, s18;
	s11 =	sor.u32 $0x1C00, s18  }
0x7: {  	[tilespmem:s2], [sflag:$0x1] =	stream.linear.gather [hbm4b:s3+s2], $0xE000, $0x38;
	[tilespmem:$0x1C000] =	vst v63  }
0x8: {  	s5 =	simm.s32 $0xE000;
	s6 =	simm.s32 $0x1;
	s4 =	sadd.s32 s16, s11  }
0x9: {  	[tilespmem:s5], [sflag:$0x1] =	stream.linear.gather [hbm4b:s4+s2], $0xE000, $0x38;
	[tilespmem:$0x1C000] =	vst v63  }
0xa: {  	_ =	swait.ge [sflag:s6], $0xE000  }
0xb: {  	[sflag:s6] =	ssyncset.done $0x0  }
0xc: {  	s7 =	sadd.s32 s17, s18;
	[sflag:s6] =	ssyncadd.s32 $0xFFFF2000  }
0xd: {  	[hbm4b:s7+s2] =	stream.linear.scatter [tilespmem:s2], [sflag:$0x2], $0xE000, $0x38;
	[tilespmem:$0x1C000] =	vst v63  }
0xe: {  	s8 =	sadd.s32 $0x80000, s7  }
0xf: {  	[hbm4b:s8+s2] =	stream.linear.scatter [tilespmem:s2], [sflag:$0x2], $0xE000, $0x38;
	[tilespmem:$0x1C000] =	vst v63  }
0x10: {  	s9 =	sadd.s32 $0x100000, s7  }
0x11: {  	[hbm4b:s9+s2] =	stream.linear.scatter [tilespmem:s2], [sflag:$0x2], $0xE000, $0x38;
	[tilespmem:$0x1C000] =	vst v63  }
0x12: {  	s10 =	sadd.s32 $0x180000, s7  }
0x13: {  	[hbm4b:s10+s2] =	stream.linear.scatter [tilespmem:s2], [sflag:$0x2], $0xE000, $0x38;
	[tilespmem:$0x1C000] =	vst v63  }
0x14: {  	_ =	swait.ge [sflag:s6], $0xE000  }
0x15: {  	[sflag:s6] =	ssyncset.done $0x0  }
0x16: {  	s11 =	sadd.s32 s17, s11;
	[sflag:s6] =	ssyncadd.s32 $0xFFFF2000  }
0x17: {  	[hbm4b:s11+s2] =	stream.linear.scatter [tilespmem:s5], [sflag:$0x2], $0xE000, $0x38;
	[tilespmem:$0x1C000] =	vst v63  }
0x18: {  	s12 =	sadd.s32 $0x81C00, s7  }
0x19: {  	[hbm4b:s12+s2] =	stream.linear.scatter [tilespmem:s5], [sflag:$0x2], $0xE000, $0x38;
	[tilespmem:$0x1C000] =	vst v63  }
0x1a: {  	s13 =	sadd.s32 $0x101C00, s7  }
0x1b: {  	[hbm4b:s13+s2] =	stream.linear.scatter [tilespmem:s5], [sflag:$0x2], $0xE000, $0x38;
	[tilespmem:$0x1C000] =	vst v63  }
0x1c: {  	s14 =	simm.s32 $0x2;
	s15 =	sadd.s32 $0x181C00, s7  }
0x1d: {  	[hbm4b:s15+s2] =	stream.linear.scatter [tilespmem:s5], [sflag:$0x2], $0xE000, $0x38;
	[tilespmem:$0x1C000] =	vst v63  }
0x1e: {  	_ =	swait.ge [sflag:s14], $0xE000  }
0x1f: {  	[sflag:s14] =	ssyncset.done $0x0  }
0x20: {  	[sflag:s14] =	ssyncadd.s32 $0xFFFF2000  }
0x21: {  	_ =	swait.ge [sflag:s14], $0xE000  }
0x22: {  	[sflag:s14] =	ssyncset.done $0x0  }
0x23: {  	[sflag:s14] =	ssyncadd.s32 $0xFFFF2000  }
0x24: {  	_ =	swait.ge [sflag:s14], $0xE000  }
0x25: {  	[sflag:s14] =	ssyncset.done $0x0  }
0x26: {  	[sflag:s14] =	ssyncadd.s32 $0xFFFF2000  }
0x27: {  	_ =	swait.ge [sflag:s14], $0xE000  }
0x28: {  	s18 =	sor.u32 $0x3800, s18;
	[sflag:s14] =	ssyncset.done $0x0  }
0x29: {  	s16 =	sadd.s32 s16, s18;
	[sflag:s14] =	ssyncadd.s32 $0xFFFF2000  }
0x2a: {  	[tilespmem:s2], [sflag:$0x1] =	stream.linear.gather [hbm4b:s16+s2], $0x4000, $0x38;
	[tilespmem:$0x1C000] =	vst v63  }
0x2b: {  	_ =	swait.ge [sflag:s6], $0x4000  }
0x2c: {  	[sflag:s6] =	ssyncset.done $0x0  }
0x2d: {  	s17 =	sadd.s32 s17, s18;
	[sflag:s6] =	ssyncadd.s32 $0xFFFFC000  }
0x2e: {  	[hbm4b:s17+s2] =	stream.linear.scatter [tilespmem:s2], [sflag:$0x2], $0x4000, $0x38;
	[tilespmem:$0x1C000] =	vst v63  }
0x2f: {  	s18 =	sadd.s32 $0x83800, s7  }
0x30: {  	[hbm4b:s18+s2] =	stream.linear.scatter [tilespmem:s2], [sflag:$0x2], $0x4000, $0x38;
	[tilespmem:$0x1C000] =	vst v63  }
0x31: {  	s19 =	sadd.s32 $0x103800, s7  }
0x32: {  	[hbm4b:s19+s2] =	stream.linear.scatter [tilespmem:s2], [sflag:$0x2], $0x4000, $0x38;
	[tilespmem:$0x1C000] =	vst v63  }
0x33: {  	s20 =	sadd.s32 $0x183800, s7  }
0x34: {  	[hbm4b:s20+s2] =	stream.linear.scatter [tilespmem:s2], [sflag:$0x2], $0x4000, $0x38;
	[tilespmem:$0x1C000] =	vst v63  }
0x35: {  	_ =	swait.ge [sflag:s14], $0x4000  }
0x36: {  	[sflag:s14] =	ssyncset.done $0x0  }
0x37: {  	[sflag:s14] =	ssyncadd.s32 $0xFFFFC000  }
0x38: {  	_ =	swait.ge [sflag:s14], $0x4000  }
0x39: {  	[sflag:s14] =	ssyncset.done $0x0  }
0x3a: {  	[sflag:s14] =	ssyncadd.s32 $0xFFFFC000  }
0x3b: {  	_ =	swait.ge [sflag:s14], $0x4000  }
0x3c: {  	[sflag:s14] =	ssyncset.done $0x0  }
0x3d: {  	[sflag:s14] =	ssyncadd.s32 $0xFFFFC000  }
0x3e: {  	_ =	swait.ge [sflag:s14], $0x4000  }
0x3f: {  	[sflag:s14] =	ssyncset.done $0x0  }
0x40: {  	[sflag:s14] =	ssyncadd.s32 $0xFFFFC000  }
0x41: {  	_ =	swait.ge [sflag:s14], $0xE000  }
0x42: {  	s21 =	ssub.s32 $0x2, s21;
	[sflag:s14] =	ssyncset.done $0x0  }
0x43: {  	s22 =	sshrl.u32 s21, $0x1;
	[sflag:s14] =	ssyncadd.s32 $0xFFFF2000  }
0x44: {  	s21 =	ssub.s32 s21, s22;
	_ =	swait.ge [sflag:s14], $0xE000  }
0x45: {  	s21 =	smax.u32 s21, $0x1;
	[sflag:s14] =	ssyncset.done $0x0  }
0x46: {  	p0 =	sne.s32 s21, $0x1;
	[sflag:s14] =	ssyncadd.s32 $0xFFFF2000  }
.Ltmp0:
0x47: {  	_ =	swait.ge [sflag:s14], $0xE000;
	(pc) =	sbr.rel @!p0 .LBB2_2-.Ltmp0, $4  }
0x48: {  	[sflag:s14] =	ssyncset.done $0x0  }
0x49: {  	[sflag:s14] =	ssyncadd.s32 $0xFFFF2000  }
0x4a: {  	_ =	swait.ge [sflag:s14], $0xE000  }
0x4b: {  	s21 =	sadd.s32 $0xFFFFFFFF, s21;
	[sflag:s14] =	ssyncset.done $0x0  }
.LBB2_1:
0x4c: {  	p0 =	sne.s32 s21, $0x1;
	s21 =	sadd.s32 $0xFFFFFFFF, s21;
	[sflag:s14] =	ssyncadd.s32 $0xFFFF2000  }
0x4d: {  	[tilespmem:s2], [sflag:$0x1] =	stream.linear.gather [hbm4b:s3+s2], $0xE000, $0x38;
	[tilespmem:$0x1C000] =	vst v63  }
0x4e: {  	_ = 	snop  }
0x4f: {  	[tilespmem:s5], [sflag:$0x1] =	stream.linear.gather [hbm4b:s4+s2], $0xE000, $0x38;
	[tilespmem:$0x1C000] =	vst v63  }
0x50: {  	_ =	swait.ge [sflag:s6], $0xE000  }
0x51: {  	[sflag:s6] =	ssyncset.done $0x0  }
0x52: {  	[sflag:s6] =	ssyncadd.s32 $0xFFFF2000  }
0x53: {  	[hbm4b:s7+s2] =	stream.linear.scatter [tilespmem:s2], [sflag:$0x2], $0xE000, $0x38;
	[tilespmem:$0x1C000] =	vst v63  }
0x54: {  	_ = 	snop  }
0x55: {  	[hbm4b:s8+s2] =	stream.linear.scatter [tilespmem:s2], [sflag:$0x2], $0xE000, $0x38;
	[tilespmem:$0x1C000] =	vst v63  }
0x56: {  	_ = 	snop  }
0x57: {  	[hbm4b:s9+s2] =	stream.linear.scatter [tilespmem:s2], [sflag:$0x2], $0xE000, $0x38;
	[tilespmem:$0x1C000] =	vst v63  }
0x58: {  	_ = 	snop  }
0x59: {  	[hbm4b:s10+s2] =	stream.linear.scatter [tilespmem:s2], [sflag:$0x2], $0xE000, $0x38;
	[tilespmem:$0x1C000] =	vst v63  }
0x5a: {  	_ =	swait.ge [sflag:s6], $0xE000  }
0x5b: {  	[sflag:s6] =	ssyncset.done $0x0  }
0x5c: {  	[sflag:s6] =	ssyncadd.s32 $0xFFFF2000  }
0x5d: {  	[hbm4b:s11+s2] =	stream.linear.scatter [tilespmem:s5], [sflag:$0x2], $0xE000, $0x38;
	[tilespmem:$0x1C000] =	vst v63  }
0x5e: {  	_ = 	snop  }
0x5f: {  	[hbm4b:s12+s2] =	stream.linear.scatter [tilespmem:s5], [sflag:$0x2], $0xE000, $0x38;
	[tilespmem:$0x1C000] =	vst v63  }
0x60: {  	_ = 	snop  }
0x61: {  	[hbm4b:s13+s2] =	stream.linear.scatter [tilespmem:s5], [sflag:$0x2], $0xE000, $0x38;
	[tilespmem:$0x1C000] =	vst v63  }
0x62: {  	_ = 	snop  }
0x63: {  	[hbm4b:s15+s2] =	stream.linear.scatter [tilespmem:s5], [sflag:$0x2], $0xE000, $0x38;
	[tilespmem:$0x1C000] =	vst v63  }
0x64: {  	_ =	swait.ge [sflag:s14], $0xE000  }
0x65: {  	[sflag:s14] =	ssyncset.done $0x0  }
0x66: {  	[sflag:s14] =	ssyncadd.s32 $0xFFFF2000  }
0x67: {  	_ =	swait.ge [sflag:s14], $0xE000  }
0x68: {  	[sflag:s14] =	ssyncset.done $0x0  }
0x69: {  	[sflag:s14] =	ssyncadd.s32 $0xFFFF2000  }
0x6a: {  	_ =	swait.ge [sflag:s14], $0xE000  }
0x6b: {  	[sflag:s14] =	ssyncset.done $0x0  }
0x6c: {  	[sflag:s14] =	ssyncadd.s32 $0xFFFF2000  }
0x6d: {  	_ =	swait.ge [sflag:s14], $0xE000  }
0x6e: {  	[sflag:s14] =	ssyncset.done $0x0  }
0x6f: {  	[sflag:s14] =	ssyncadd.s32 $0xFFFF2000  }
0x70: {  	[tilespmem:s2], [sflag:$0x1] =	stream.linear.gather [hbm4b:s16+s2], $0x4000, $0x38;
	[tilespmem:$0x1C000] =	vst v63  }
0x71: {  	_ =	swait.ge [sflag:s6], $0x4000  }
0x72: {  	[sflag:s6] =	ssyncset.done $0x0  }
0x73: {  	[sflag:s6] =	ssyncadd.s32 $0xFFFFC000  }
0x74: {  	[hbm4b:s17+s2] =	stream.linear.scatter [tilespmem:s2], [sflag:$0x2], $0x4000, $0x38;
	[tilespmem:$0x1C000] =	vst v63  }
0x75: {  	_ = 	snop  }
0x76: {  	[hbm4b:s18+s2] =	stream.linear.scatter [tilespmem:s2], [sflag:$0x2], $0x4000, $0x38;
	[tilespmem:$0x1C000] =	vst v63  }
0x77: {  	_ = 	snop  }
0x78: {  	[hbm4b:s19+s2] =	stream.linear.scatter [tilespmem:s2], [sflag:$0x2], $0x4000, $0x38;
	[tilespmem:$0x1C000] =	vst v63  }
0x79: {  	_ = 	snop  }
0x7a: {  	[hbm4b:s20+s2] =	stream.linear.scatter [tilespmem:s2], [sflag:$0x2], $0x4000, $0x38;
	[tilespmem:$0x1C000] =	vst v63  }
0x7b: {  	_ =	swait.ge [sflag:s14], $0x4000  }
0x7c: {  	[sflag:s14] =	ssyncset.done $0x0  }
0x7d: {  	[sflag:s14] =	ssyncadd.s32 $0xFFFFC000  }
0x7e: {  	_ =	swait.ge [sflag:s14], $0x4000  }
0x7f: {  	[sflag:s14] =	ssyncset.done $0x0  }
0x80: {  	[sflag:s14] =	ssyncadd.s32 $0xFFFFC000  }
0x81: {  	_ =	swait.ge [sflag:s14], $0x4000  }
0x82: {  	[sflag:s14] =	ssyncset.done $0x0  }
0x83: {  	[sflag:s14] =	ssyncadd.s32 $0xFFFFC000  }
0x84: {  	_ =	swait.ge [sflag:s14], $0x4000  }
0x85: {  	[sflag:s14] =	ssyncset.done $0x0  }
0x86: {  	[sflag:s14] =	ssyncadd.s32 $0xFFFFC000  }
0x87: {  	_ =	swait.ge [sflag:s14], $0xE000  }
0x88: {  	[sflag:s14] =	ssyncset.done $0x0  }
0x89: {  	[sflag:s14] =	ssyncadd.s32 $0xFFFF2000  }
0x8a: {  	_ =	swait.ge [sflag:s14], $0xE000  }
0x8b: {  	[sflag:s14] =	ssyncset.done $0x0  }
0x8c: {  	[sflag:s14] =	ssyncadd.s32 $0xFFFF2000  }
.Ltmp1:
0x8d: {  	_ =	swait.ge [sflag:s14], $0xE000;
	(pc) =	sbr.rel @p0 .LBB2_1-.Ltmp1, $4  }
0x8e: {  	[sflag:s14] =	ssyncset.done $0x0  }
0x8f: {  	[sflag:s14] =	ssyncadd.s32 $0xFFFF2000  }
0x90: {  	_ =	swait.ge [sflag:s14], $0xE000  }
0x91: {  	[sflag:s14] =	ssyncset.done $0x0  }
.LBB2_2:
0x92: {  	[sflag:s14] =	ssyncadd.s32 $0xFFFF2000  }
0x93: {  	_ =	sfence.sel $0x180000  }
0x94: {  	[bflag:$0x0] =	sbarrier.arrive $0xFFFF  }
0x95: {  	p0 =	sne.s32 s1, $0x0;
	_ =	strace $0x90000047  }
0x96: {  	s0 =	sadd.s32 @!p0 $0x100000, s0;
	[bflag:$0x2] =	sbarrier.arrive $0xFFFF  }
0x97: {  	[sflag:s0] =	ssyncadd.tile.s32 @!p0 $0x1;
	_ =	shalt  }
.Lfunc_end2:
_tile_overlayer_lowered:
.L_overlay_start_2:
0x98: {  	(tag) =	ssettag $0x2  }
0x99: {  	s0 =	rddreg [dreg:$0x0];
	s2 =	stileid.u32  }
0x9a: {  	s1 =	rddreg [dreg:$0x1];
	p0 =	sne.s32 s2, $0x0  }
0x9b: {  	s3 =	rddreg [dreg:$0x2];
	[bflag:$0x3] =	sbarrier.arrive $0xFFFF;
	s2 =	simm.s32 @!p0 $0x1C01  }
0x9c: {  	[timem:s3], [sflag:s2] =	dma.local @!p0 [hbm:s0], s1  }
0x9d: {  	s0 =	simm.s32 @!p0 $0x1  }
0x9e: {  	_ =	swait.ge @!p0 [sflag:s0], s1  }
0x9f: {  	s1 =	ssub.s32 @!p0 $0x0, s1;
	[sflag:s0] =	ssyncset.done @!p0 $0x0  }
0xa0: {  	[sflag:s0] =	ssyncadd.s32 @!p0 s1  }
0xa1: {  	[bflag:$0x3] =	sbarrier.arrive $0xFFFF  }
0xa2: {  	_ =	shalt  }

</sc_bundles>
